<compile_context>
chip_gen: v7x
topology: tpu7x:2x2x1
jax: 0.10.2.dev20260603
libtpu: 0.0.44.dev20260713+nightly
codegen_flags: <defaults>
</compile_context>

<pallas_src>
import dataclasses

import jax
import jax.numpy as jnp
import numpy as np
from jax import lax
from jax.experimental import pallas as pl
from jax.experimental.pallas import tpu as pltpu
from jax.experimental.pallas import tpu_sc as plsc

_N = 5000
_NP = 5120
_B = 512
_NB = _NP // _B
_THR = 0.3
_CHUNK = 256
_NW = _NP // _CHUNK
_C_UNION = 4.0 / 3.0 * np.pi


def _tile_adj(xa, ya, za, ra, xb, yb, zb, rb):
    dx = xa - xb
    dy = ya - yb
    dz = za - zb
    dist = jnp.sqrt(dx * dx + dy * dy + dz * dz)
    diff = jnp.abs(ra - rb)
    case1 = dist <= diff
    s_ab = ra + rb
    case2 = (dist > diff) & (dist < s_ab)
    min_r = jnp.minimum(ra, rb)
    max_r = jnp.maximum(ra, rb)
    t = min_r / max_r
    v1 = (t * t) * t
    inter = (s_ab - dist)
    inter = inter * inter
    inter = inter * (dist * dist + 2.0 * dist * s_ab - 3.0 * (diff * diff))
    inter = inter * (np.pi / (12.0 * dist))
    ra3 = (ra * ra) * ra
    rb3 = (rb * rb) * rb
    union = _C_UNION * (ra3 + rb3) - inter
    v2 = inter / union
    iou = jnp.where(case1, v1, jnp.where(case2, v2, 0.0))
    return iou > _THR


def _nms_body(xc, yc, zc, rc, xr, yr, zr, rr, keep_out, sup_ref):
    b = pl.program_id(0)

    @pl.when(b == 0)
    def _():
        sup_ref[...] = jnp.zeros_like(sup_ref)

    xa = xc[b]
    ya = yc[b]
    za = zc[b]
    ra = rc[b]

    adj = _tile_adj(xa, ya, za, ra, xr[b], yr[b], zr[b], rr[b])
    rows = lax.broadcasted_iota(jnp.int32, (_B, _B), 0)
    cols = lax.broadcasted_iota(jnp.int32, (_B, _B), 1)
    a_ut = ((cols > rows) & adj).astype(jnp.bfloat16)

    ext = sup_ref[b]
    not_ext = 1.0 - ext
    k0 = not_ext

    def cond_fn(carry):
        return carry[0]

    def body_fn(carry):
        _, k = carry
        cnt = lax.dot_general(
            k.astype(jnp.bfloat16), a_ut,
            (((1,), (0,)), ((), ())),
            preferred_element_type=jnp.float32)
        nk = jnp.where(cnt < 0.5, not_ext, 0.0)
        changed = jnp.max(jnp.abs(nk - k)) > 0.5
        return changed, nk

    _, k = lax.while_loop(cond_fn, body_fn, (jnp.bool_(True), k0))
    keep_out[...] = k.reshape(1, 1, _B)

    kbf = k.astype(jnp.bfloat16)

    def apply(c, adj):
        cnt = lax.dot_general(
            kbf, adj,
            (((1,), (0,)), ((), ())),
            preferred_element_type=jnp.float32)
        sup_ref[c] = jnp.where(cnt > 0.5, 1.0, sup_ref[c])

    def prop(c, adj_prev):
        @pl.when(c > b + 1)
        def _():
            apply(c - 1, adj_prev)

        return _tile_adj(
            xa, ya, za, ra, xr[c], yr[c], zr[c], rr[c]).astype(jnp.bfloat16)

    adj_last = lax.fori_loop(b + 1, _NB, prop,
                             jnp.zeros((_B, _B), jnp.bfloat16))

    @pl.when(b < _NB - 1)
    def _():
        apply(_NB - 1, adj_last)


def _nms_sorted(xs, ys, zs, rs):
    specs_c = [pl.BlockSpec((_NB, _B, 1), lambda b: (0, 0, 0))] * 4
    specs_r = [pl.BlockSpec((_NB, 1, _B), lambda b: (0, 0, 0))] * 4
    out = pl.pallas_call(
        _nms_body,
        grid=(_NB,),
        in_specs=specs_c + specs_r,
        out_specs=pl.BlockSpec((1, 1, _B), lambda b: (b, 0, 0)),
        out_shape=jax.ShapeDtypeStruct((_NB, 1, _B), jnp.float32),
        scratch_shapes=[pltpu.VMEM((_NB, 1, _B), jnp.float32)],
    )(
        xs.reshape(_NB, _B, 1), ys.reshape(_NB, _B, 1),
        zs.reshape(_NB, _B, 1), rs.reshape(_NB, _B, 1),
        xs.reshape(_NB, 1, _B), ys.reshape(_NB, 1, _B),
        zs.reshape(_NB, 1, _B), rs.reshape(_NB, 1, _B),
    )
    return out.reshape(_NP)


def _sc_mesh():
    return plsc.VectorSubcoreMesh(core_axis_name="core",
                                  subcore_axis_name="subcore")


def _sc_params():
    cp = pltpu.CompilerParams()
    if "needs_layout_passes" in pltpu.CompilerParams.__dataclass_fields__:
        cp = dataclasses.replace(cp, needs_layout_passes=False)
    return cp


def _sc_gather(data4, idx):

    @pl.kernel(out_type=jax.ShapeDtypeStruct((4, _NP), jnp.float32),
               mesh=_sc_mesh(), compiler_params=_sc_params(),
               scratch_types=[pltpu.VMEM((_NP,), jnp.float32),
                              pltpu.VMEM((_NP,), jnp.float32),
                              pltpu.VMEM((_NP,), jnp.float32),
                              pltpu.VMEM((_NP,), jnp.float32),
                              pltpu.VMEM((_CHUNK,), jnp.int32),
                              pltpu.VMEM((4, _CHUNK), jnp.float32),
                              pltpu.SemaphoreType.DMA])
    def kern(x_hbm, i_hbm, o_hbm, x0, x1, x2, x3, i_v, o_v, sem):
        c = lax.axis_index("core")
        s = lax.axis_index("subcore")
        w = c * 16 + s

        @pl.when(w < _NW)
        def _():
            for coord, xv in enumerate((x0, x1, x2, x3)):
                pltpu.async_copy(x_hbm.at[coord], xv, sem).wait()
            pltpu.async_copy(i_hbm.at[pl.ds(w * _CHUNK, _CHUNK)], i_v,
                             sem).wait()

            @pl.loop(0, _CHUNK // 16)
            def _(j):
                ids = i_v[pl.ds(j * 16, 16)]
                for coord, xv in enumerate((x0, x1, x2, x3)):
                    o_v[coord, pl.ds(j * 16, 16)] = plsc.load_gather(
                        xv, [ids])

            pltpu.async_copy(o_v, o_hbm.at[:, pl.ds(w * _CHUNK, _CHUNK)],
                             sem).wait()

    return kern(data4, idx)


def _sc_scatter(vals, idx):

    @pl.kernel(out_type=jax.ShapeDtypeStruct((_NP,), jnp.float32),
               mesh=_sc_mesh(), compiler_params=_sc_params(),
               scratch_types=[pltpu.VMEM((_NP,), jnp.float32),
                              pltpu.VMEM((_NP,), jnp.int32),
                              pltpu.VMEM((_NP,), jnp.float32),
                              pltpu.SemaphoreType.DMA])
    def kern(v_hbm, i_hbm, o_hbm, v_v, i_v, o_v, sem):
        c = lax.axis_index("core")
        s = lax.axis_index("subcore")

        @pl.when((c == 0) & (s == 0))
        def _():
            pltpu.async_copy(v_hbm, v_v, sem).wait()
            pltpu.async_copy(i_hbm, i_v, sem).wait()

            @pl.loop(0, _NP // 16)
            def _(j):
                ids = i_v[pl.ds(j * 16, 16)]
                plsc.store_scatter(o_v, [ids], v_v[pl.ds(j * 16, 16)])

            pltpu.async_copy(o_v, o_hbm, sem).wait()

    return kern(vals, idx)


def kernel(bspheres, scores):
    order = jnp.argsort(-scores).astype(jnp.int32)
    order_p = jnp.concatenate(
        [order, jnp.arange(_N, _NP, dtype=jnp.int32)])

    pad_sph = jnp.concatenate(
        [jnp.full((_NP - _N, 3), 1.0e6, jnp.float32),
         jnp.ones((_NP - _N, 1), jnp.float32)], axis=1)
    sph_p = jnp.concatenate([bspheres, pad_sph], axis=0)

    sorted4 = _sc_gather(sph_p.T, order_p)

    keep_sorted = _nms_sorted(sorted4[0], sorted4[1], sorted4[2], sorted4[3])

    keep_orig = _sc_scatter(keep_sorted, order_p)

    keep = keep_orig[:_N].astype(jnp.int32)
    kept_scores = scores * keep.astype(jnp.float32)
    return kept_scores, keep

# --- scband reference (transcript-rebuilt; emitter-appended) ---
"""Pipeline reference for scband-point-mask-rcnn-21036749816356 (READ-ONLY COPY).

The authoritative reference and input builder live on the scoring server;
editing this copy changes nothing except your own understanding.
"""

import jax, jax.numpy as jnp
import numpy as np
from jax import lax

N = 5000
THRESHOLD = 0.3


def iou_spheres(spheres_a, spheres_b):
    # Faithful jax translation of the torch iou_spheres (branchless via where).
    M = spheres_a.shape[0]
    K = spheres_b.shape[0]
    dist = jnp.linalg.norm(spheres_a[:, None, 0:3] - spheres_b[None, :, 0:3], axis=2)
    r_a = jnp.broadcast_to(spheres_a[:, 3][:, None], (M, K))
    r_b = jnp.broadcast_to(spheres_b[:, 3][None, :], (M, K))
    case1 = dist <= jnp.abs(r_a - r_b)
    case2 = (dist > jnp.abs(r_a - r_b)) & (dist < r_a + r_b)
    min_r = jnp.minimum(r_a, r_b)
    max_r = jnp.maximum(r_a, r_b)
    v1 = (1.0 * min_r / max_r) ** 3
    d_safe = jnp.where(case2, dist, 1.0)
    intersection = (r_a + r_b - d_safe) ** 2
    intersection = intersection * (d_safe ** 2 + 2.0 * d_safe * (r_a + r_b) - 3.0 * (r_a - r_b) ** 2)
    intersection = intersection * (np.pi / (12.0 * d_safe))
    union = 4.0 / 3.0 * np.pi * (r_a ** 3 + r_b ** 3) - intersection
    v2 = intersection / union
    return jnp.where(case1, v1, jnp.where(case2, v2, 0.0))


def nms_keep_mask(iou, scores, threshold):
    # Greedy NMS identical in semantics to the torch while-loop:
    # iterate candidates in descending-score order, suppress later
    # candidates whose IoU with a kept candidate exceeds threshold.
    n = scores.shape[0]
    order = jnp.argsort(-scores)
    iou_o = iou[order][:, order]
    rng = jnp.arange(n)

    def body(i, suppressed):
        is_kept = jnp.logical_not(suppressed[i])
        sup_row = (iou_o[i] > threshold) & is_kept & (rng > i)
        return suppressed | sup_row

    suppressed = lax.fori_loop(0, n, body, jnp.zeros((n,), dtype=bool))
    keep_sorted = jnp.logical_not(suppressed)
    keep = jnp.zeros((n,), dtype=bool).at[order].set(keep_sorted)
    return keep


def setup_inputs(seed: int = 0) -> dict:
    key = jax.random.key(seed)
    k1, k2, k3 = jax.random.split(key, 3)
    centers = jax.random.uniform(k1, (N, 3), dtype=jnp.float32) * 100.0
    radii = jax.random.uniform(k2, (N, 1), dtype=jnp.float32) * 2.0 + 0.5
    bspheres = jnp.concatenate([centers, radii], axis=1)
    scores = jax.random.uniform(k3, (N,), dtype=jnp.float32)
    return {"bspheres": bspheres, "scores": scores}


def reference(bspheres, scores):
    iou = iou_spheres(bspheres, bspheres)
    keep = nms_keep_mask(iou, scores, THRESHOLD)
    kept_scores = scores * keep.astype(jnp.float32)
    return kept_scores, keep.astype(jnp.int32)

if __name__ == "__main__":
    import jax
    _d = setup_inputs()
    print(jax.jit(kernel)(*tuple(_d.values())))

</pallas_src>

<mosaic_0001>
#map = affine_map<(d0, d1) -> (0)>
module attributes {stable_mosaic.version = 14 : i64} {
  func.func @kern(%arg0: i32, %arg1: i32, %arg2: memref<5120xf32, #tpu.memory_space<hbm>>, %arg3: memref<5120xi32, #tpu.memory_space<hbm>>, %arg4: memref<5120xf32, #tpu.memory_space<hbm>>, %arg5: memref<5120xf32, #tpu.memory_space<vmem>>, %arg6: memref<5120xi32, #tpu.memory_space<vmem>>, %arg7: memref<5120xf32, #tpu.memory_space<vmem>>, %arg8: memref<!tpu.dma_semaphore, #tpu.memory_space<semaphore_mem>>) attributes {dimension_semantics = [#tpu.dimension_semantics<core_parallel>, #tpu.dimension_semantics<subcore_parallel>], iteration_bounds = array<i64: 2, 16>, scalar_prefetch = 0 : i64, scratch_operands = 4 : i64, tpu.core_type = #tpu.core_type<sc_vector_subcore>, window_params = [{transform_indices = #map}, {transform_indices = #map}, {transform_indices = #map}]} {
    %eq3A = arith.constant 0 : i32
    %eq3A_0 = arith.cmpi eq, %arg0, %eq3A : i32
    %eq3A_1 = arith.constant 0 : i32
    %eq3A_2 = arith.cmpi eq, %arg1, %eq3A_1 : i32
    %and3A = arith.andi %eq3A_0, %eq3A_2 : i1
    %convert_element_type3A = arith.extui %and3A : i1 to i32
    %cond3A = arith.constant 0 : i32
    %cond3A_3 = arith.cmpi ne, %convert_element_type3A, %cond3A : i32
    scf.if %cond3A_3 {
      tpu.enqueue_dma source(%arg2 : memref<5120xf32, #tpu.memory_space<hbm>>) target(%arg5 : memref<5120xf32, #tpu.memory_space<vmem>>) target_semaphore(%arg8 : memref<!tpu.dma_semaphore, #tpu.memory_space<semaphore_mem>>)
      tpu.wait_dma2 semaphore(%arg8 : memref<!tpu.dma_semaphore, #tpu.memory_space<semaphore_mem>>) src(%arg2 : memref<5120xf32, #tpu.memory_space<hbm>>) dst(%arg5 : memref<5120xf32, #tpu.memory_space<vmem>>)
      tpu.enqueue_dma source(%arg3 : memref<5120xi32, #tpu.memory_space<hbm>>) target(%arg6 : memref<5120xi32, #tpu.memory_space<vmem>>) target_semaphore(%arg8 : memref<!tpu.dma_semaphore, #tpu.memory_space<semaphore_mem>>)
      tpu.wait_dma2 semaphore(%arg8 : memref<!tpu.dma_semaphore, #tpu.memory_space<semaphore_mem>>) src(%arg3 : memref<5120xi32, #tpu.memory_space<hbm>>) dst(%arg6 : memref<5120xi32, #tpu.memory_space<vmem>>)
      %scan3A = arith.constant 0 : i32
      %scan3A_4 = arith.constant 320 : i32
      %scan3A_5 = arith.addi %scan3A, %scan3A_4 : i32
      %scan3A_6 = arith.constant 1 : i32
      scf.for %scan3A_8 = %scan3A to %scan3A_5 step %scan3A_6  : i32 {
        %mul3A = arith.constant 1 : i32
        %mul3A_9 = arith.muli %scan3A_8, %mul3A : i32
        %add3A = arith.constant 0 : i32
        %add3A_10 = arith.addi %add3A, %mul3A_9 : i32
        %mul3A_11 = arith.constant 16 : i32
        %mul3A_12 = arith.muli %add3A_10, %mul3A_11 : i32
        %get3A = arith.index_cast %mul3A_12 : i32 to index
        %get3A_13 = tpu.vector_load %arg6[%get3A] {strides = array<i32>} : memref<5120xi32, #tpu.memory_space<vmem>>, vector<16xi32>,
        %mul3A_14 = arith.constant 16 : i32
        %mul3A_15 = arith.muli %add3A_10, %mul3A_14 : i32
        %get3A_16 = arith.index_cast %mul3A_15 : i32 to index
        %get3A_17 = tpu.vector_load %arg5[%get3A_16] {strides = array<i32>} : memref<5120xf32, #tpu.memory_space<vmem>>, vector<16xf32>,
        tpu.vector_store_idx %arg7[%get3A_13], %get3A_17 : memref<5120xf32, #tpu.memory_space<vmem>>[vector<16xi32>], vector<16xf32>,
      }
      %scan3A_7 = arith.constant 320 : i32
      tpu.enqueue_dma source(%arg7 : memref<5120xf32, #tpu.memory_space<vmem>>) target(%arg4 : memref<5120xf32, #tpu.memory_space<hbm>>) target_semaphore(%arg8 : memref<!tpu.dma_semaphore, #tpu.memory_space<semaphore_mem>>)
      tpu.wait_dma2 semaphore(%arg8 : memref<!tpu.dma_semaphore, #tpu.memory_space<semaphore_mem>>) src(%arg7 : memref<5120xf32, #tpu.memory_space<vmem>>) dst(%arg4 : memref<5120xf32, #tpu.memory_space<hbm>>)
    } else {
    }
    return
  }
}

#map = affine_map<(d0, d1) -> (0, 0)>
#map1 = affine_map<(d0, d1) -> (0)>
module attributes {stable_mosaic.version = 14 : i64} {
  func.func @kern(%arg0: i32, %arg1: i32, %arg2: memref<4x5120xf32, #tpu.memory_space<hbm>>, %arg3: memref<5120xi32, #tpu.memory_space<hbm>>, %arg4: memref<4x5120xf32, #tpu.memory_space<hbm>>, %arg5: memref<5120xf32, #tpu.memory_space<vmem>>, %arg6: memref<5120xf32, #tpu.memory_space<vmem>>, %arg7: memref<5120xf32, #tpu.memory_space<vmem>>, %arg8: memref<5120xf32, #tpu.memory_space<vmem>>, %arg9: memref<256xi32, #tpu.memory_space<vmem>>, %arg10: memref<4x256xf32, #tpu.memory_space<vmem>>, %arg11: memref<!tpu.dma_semaphore, #tpu.memory_space<semaphore_mem>>) attributes {dimension_semantics = [#tpu.dimension_semantics<core_parallel>, #tpu.dimension_semantics<subcore_parallel>], iteration_bounds = array<i64: 2, 16>, scalar_prefetch = 0 : i64, scratch_operands = 7 : i64, tpu.core_type = #tpu.core_type<sc_vector_subcore>, window_params = [{transform_indices = #map}, {transform_indices = #map1}, {transform_indices = #map}]} {
    %mul3A = arith.constant 16 : i32
    %mul3A_0 = arith.muli %arg0, %mul3A : i32
    %add3A = arith.addi %mul3A_0, %arg1 : i32
    %lt3A = arith.constant 20 : i32
    %lt3A_1 = arith.cmpi slt, %add3A, %lt3A : i32
    %convert_element_type3A = arith.extui %lt3A_1 : i1 to i32
    %cond3A = arith.constant 0 : i32
    %cond3A_2 = arith.cmpi ne, %convert_element_type3A, %cond3A : i32
    scf.if %cond3A_2 {
      %dma_start3A = arith.constant 0 : i32
      %dma_start3A_3 = arith.constant 0 : i32
      %dma_start3A_4 = tpu.memref_slice %arg2[%dma_start3A, %dma_start3A_3] : memref<4x5120xf32, #tpu.memory_space<hbm>> -> memref<1x5120xf32, #tpu.memory_space<hbm>>
      %dma_start3A_5 = tpu.memref_squeeze %dma_start3A_4 : memref<1x5120xf32, #tpu.memory_space<hbm>> -> memref<5120xf32, #tpu.memory_space<hbm>>
      %dma_start3A_6 = arith.constant 0 : i32
      %dma_start3A_7 = tpu.memref_slice %arg2[%dma_start3A, %dma_start3A_6] : memref<4x5120xf32, #tpu.memory_space<hbm>> -> memref<1x5120xf32, #tpu.memory_space<hbm>>
      %dma_start3A_8 = tpu.memref_squeeze %dma_start3A_7 : memref<1x5120xf32, #tpu.memory_space<hbm>> -> memref<5120xf32, #tpu.memory_space<hbm>>
      tpu.enqueue_dma source(%dma_start3A_8 : memref<5120xf32, #tpu.memory_space<hbm>>) target(%arg5 : memref<5120xf32, #tpu.memory_space<vmem>>) target_semaphore(%arg11 : memref<!tpu.dma_semaphore, #tpu.memory_space<semaphore_mem>>)
      %dma_wait3A = arith.constant 0 : i32
      %dma_wait3A_9 = arith.constant 0 : i32
      %dma_wait3A_10 = tpu.memref_slice %arg2[%dma_wait3A, %dma_wait3A_9] : memref<4x5120xf32, #tpu.memory_space<hbm>> -> memref<1x5120xf32, #tpu.memory_space<hbm>>
      %dma_wait3A_11 = tpu.memref_squeeze %dma_wait3A_10 : memref<1x5120xf32, #tpu.memory_space<hbm>> -> memref<5120xf32, #tpu.memory_space<hbm>>
      %dma_wait3A_12 = arith.constant 0 : i32
      %dma_wait3A_13 = tpu.memref_slice %arg2[%dma_wait3A, %dma_wait3A_12] : memref<4x5120xf32, #tpu.memory_space<hbm>> -> memref<1x5120xf32, #tpu.memory_space<hbm>>
      %dma_wait3A_14 = tpu.memref_squeeze %dma_wait3A_13 : memref<1x5120xf32, #tpu.memory_space<hbm>> -> memref<5120xf32, #tpu.memory_space<hbm>>
      tpu.wait_dma2 semaphore(%arg11 : memref<!tpu.dma_semaphore, #tpu.memory_space<semaphore_mem>>) src(%dma_wait3A_14 : memref<5120xf32, #tpu.memory_space<hbm>>) dst(%arg5 : memref<5120xf32, #tpu.memory_space<vmem>>)
      %dma_start3A_15 = arith.constant 1 : i32
      %dma_start3A_16 = arith.constant 0 : i32
      %dma_start3A_17 = tpu.memref_slice %arg2[%dma_start3A_15, %dma_start3A_16] : memref<4x5120xf32, #tpu.memory_space<hbm>> -> memref<1x5120xf32, #tpu.memory_space<hbm>>
      %dma_start3A_18 = tpu.memref_squeeze %dma_start3A_17 : memref<1x5120xf32, #tpu.memory_space<hbm>> -> memref<5120xf32, #tpu.memory_space<hbm>>
      %dma_start3A_19 = arith.constant 0 : i32
      %dma_start3A_20 = tpu.memref_slice %arg2[%dma_start3A_15, %dma_start3A_19] : memref<4x5120xf32, #tpu.memory_space<hbm>> -> memref<1x5120xf32, #tpu.memory_space<hbm>>
      %dma_start3A_21 = tpu.memref_squeeze %dma_start3A_20 : memref<1x5120xf32, #tpu.memory_space<hbm>> -> memref<5120xf32, #tpu.memory_space<hbm>>
      tpu.enqueue_dma source(%dma_start3A_21 : memref<5120xf32, #tpu.memory_space<hbm>>) target(%arg6 : memref<5120xf32, #tpu.memory_space<vmem>>) target_semaphore(%arg11 : memref<!tpu.dma_semaphore, #tpu.memory_space<semaphore_mem>>)
      %dma_wait3A_22 = arith.constant 1 : i32
      %dma_wait3A_23 = arith.constant 0 : i32
      %dma_wait3A_24 = tpu.memref_slice %arg2[%dma_wait3A_22, %dma_wait3A_23] : memref<4x5120xf32, #tpu.memory_space<hbm>> -> memref<1x5120xf32, #tpu.memory_space<hbm>>
      %dma_wait3A_25 = tpu.memref_squeeze %dma_wait3A_24 : memref<1x5120xf32, #tpu.memory_space<hbm>> -> memref<5120xf32, #tpu.memory_space<hbm>>
      %dma_wait3A_26 = arith.constant 0 : i32
      %dma_wait3A_27 = tpu.memref_slice %arg2[%dma_wait3A_22, %dma_wait3A_26] : memref<4x5120xf32, #tpu.memory_space<hbm>> -> memref<1x5120xf32, #tpu.memory_space<hbm>>
      %dma_wait3A_28 = tpu.memref_squeeze %dma_wait3A_27 : memref<1x5120xf32, #tpu.memory_space<hbm>> -> memref<5120xf32, #tpu.memory_space<hbm>>
      tpu.wait_dma2 semaphore(%arg11 : memref<!tpu.dma_semaphore, #tpu.memory_space<semaphore_mem>>) src(%dma_wait3A_28 : memref<5120xf32, #tpu.memory_space<hbm>>) dst(%arg6 : memref<5120xf32, #tpu.memory_space<vmem>>)
      %dma_start3A_29 = arith.constant 2 : i32
      %dma_start3A_30 = arith.constant 0 : i32
      %dma_start3A_31 = tpu.memref_slice %arg2[%dma_start3A_29, %dma_start3A_30] : memref<4x5120xf32, #tpu.memory_space<hbm>> -> memref<1x5120xf32, #tpu.memory_space<hbm>>
      %dma_start3A_32 = tpu.memref_squeeze %dma_start3A_31 : memref<1x5120xf32, #tpu.memory_space<hbm>> -> memref<5120xf32, #tpu.memory_space<hbm>>
      %dma_start3A_33 = arith.constant 0 : i32
      %dma_start3A_34 = tpu.memref_slice %arg2[%dma_start3A_29, %dma_start3A_33] : memref<4x5120xf32, #tpu.memory_space<hbm>> -> memref<1x5120xf32, #tpu.memory_space<hbm>>
      %dma_start3A_35 = tpu.memref_squeeze %dma_start3A_34 : memref<1x5120xf32, #tpu.memory_space<hbm>> -> memref<5120xf32, #tpu.memory_space<hbm>>
      tpu.enqueue_dma source(%dma_start3A_35 : memref<5120xf32, #tpu.memory_space<hbm>>) target(%arg7 : memref<5120xf32, #tpu.memory_space<vmem>>) target_semaphore(%arg11 : memref<!tpu.dma_semaphore, #tpu.memory_space<semaphore_mem>>)
      %dma_wait3A_36 = arith.constant 2 : i32
      %dma_wait3A_37 = arith.constant 0 : i32
      %dma_wait3A_38 = tpu.memref_slice %arg2[%dma_wait3A_36, %dma_wait3A_37] : memref<4x5120xf32, #tpu.memory_space<hbm>> -> memref<1x5120xf32, #tpu.memory_space<hbm>>
      %dma_wait3A_39 = tpu.memref_squeeze %dma_wait3A_38 : memref<1x5120xf32, #tpu.memory_space<hbm>> -> memref<5120xf32, #tpu.memory_space<hbm>>
      %dma_wait3A_40 = arith.constant 0 : i32
      %dma_wait3A_41 = tpu.memref_slice %arg2[%dma_wait3A_36, %dma_wait3A_40] : memref<4x5120xf32, #tpu.memory_space<hbm>> -> memref<1x5120xf32, #tpu.memory_space<hbm>>
      %dma_wait3A_42 = tpu.memref_squeeze %dma_wait3A_41 : memref<1x5120xf32, #tpu.memory_space<hbm>> -> memref<5120xf32, #tpu.memory_space<hbm>>
      tpu.wait_dma2 semaphore(%arg11 : memref<!tpu.dma_semaphore, #tpu.memory_space<semaphore_mem>>) src(%dma_wait3A_42 : memref<5120xf32, #tpu.memory_space<hbm>>) dst(%arg7 : memref<5120xf32, #tpu.memory_space<vmem>>)
      %dma_start3A_43 = arith.constant 3 : i32
      %dma_start3A_44 = arith.constant 0 : i32
      %dma_start3A_45 = tpu.memref_slice %arg2[%dma_start3A_43, %dma_start3A_44] : memref<4x5120xf32, #tpu.memory_space<hbm>> -> memref<1x5120xf32, #tpu.memory_space<hbm>>
      %dma_start3A_46 = tpu.memref_squeeze %dma_start3A_45 : memref<1x5120xf32, #tpu.memory_space<hbm>> -> memref<5120xf32, #tpu.memory_space<hbm>>
      %dma_start3A_47 = arith.constant 0 : i32
      %dma_start3A_48 = tpu.memref_slice %arg2[%dma_start3A_43, %dma_start3A_47] : memref<4x5120xf32, #tpu.memory_space<hbm>> -> memref<1x5120xf32, #tpu.memory_space<hbm>>
      %dma_start3A_49 = tpu.memref_squeeze %dma_start3A_48 : memref<1x5120xf32, #tpu.memory_space<hbm>> -> memref<5120xf32, #tpu.memory_space<hbm>>
      tpu.enqueue_dma source(%dma_start3A_49 : memref<5120xf32, #tpu.memory_space<hbm>>) target(%arg8 : memref<5120xf32, #tpu.memory_space<vmem>>) target_semaphore(%arg11 : memref<!tpu.dma_semaphore, #tpu.memory_space<semaphore_mem>>)
      %dma_wait3A_50 = arith.constant 3 : i32
      %dma_wait3A_51 = arith.constant 0 : i32
      %dma_wait3A_52 = tpu.memref_slice %arg2[%dma_wait3A_50, %dma_wait3A_51] : memref<4x5120xf32, #tpu.memory_space<hbm>> -> memref<1x5120xf32, #tpu.memory_space<hbm>>
      %dma_wait3A_53 = tpu.memref_squeeze %dma_wait3A_52 : memref<1x5120xf32, #tpu.memory_space<hbm>> -> memref<5120xf32, #tpu.memory_space<hbm>>
      %dma_wait3A_54 = arith.constant 0 : i32
      %dma_wait3A_55 = tpu.memref_slice %arg2[%dma_wait3A_50, %dma_wait3A_54] : memref<4x5120xf32, #tpu.memory_space<hbm>> -> memref<1x5120xf32, #tpu.memory_space<hbm>>
      %dma_wait3A_56 = tpu.memref_squeeze %dma_wait3A_55 : memref<1x5120xf32, #tpu.memory_space<hbm>> -> memref<5120xf32, #tpu.memory_space<hbm>>
      tpu.wait_dma2 semaphore(%arg11 : memref<!tpu.dma_semaphore, #tpu.memory_space<semaphore_mem>>) src(%dma_wait3A_56 : memref<5120xf32, #tpu.memory_space<hbm>>) dst(%arg8 : memref<5120xf32, #tpu.memory_space<vmem>>)
      %mul3A_57 = arith.constant 256 : i32
      %mul3A_58 = arith.muli %add3A, %mul3A_57 : i32
      %dma_start3A_59 = tpu.memref_slice %arg3[%mul3A_58] : memref<5120xi32, #tpu.memory_space<hbm>> -> memref<256xi32, #tpu.memory_space<hbm>>
      %dma_start3A_60 = tpu.memref_slice %arg3[%mul3A_58] : memref<5120xi32, #tpu.memory_space<hbm>> -> memref<256xi32, #tpu.memory_space<hbm>>
      tpu.enqueue_dma source(%dma_start3A_60 : memref<256xi32, #tpu.memory_space<hbm>>) target(%arg9 : memref<256xi32, #tpu.memory_space<vmem>>) target_semaphore(%arg11 : memref<!tpu.dma_semaphore, #tpu.memory_space<semaphore_mem>>)
      %dma_wait3A_61 = tpu.memref_slice %arg3[%mul3A_58] : memref<5120xi32, #tpu.memory_space<hbm>> -> memref<256xi32, #tpu.memory_space<hbm>>
      %dma_wait3A_62 = tpu.memref_slice %arg3[%mul3A_58] : memref<5120xi32, #tpu.memory_space<hbm>> -> memref<256xi32, #tpu.memory_space<hbm>>
      tpu.wait_dma2 semaphore(%arg11 : memref<!tpu.dma_semaphore, #tpu.memory_space<semaphore_mem>>) src(%dma_wait3A_62 : memref<256xi32, #tpu.memory_space<hbm>>) dst(%arg9 : memref<256xi32, #tpu.memory_space<vmem>>)
      %scan3A = arith.constant 0 : i32
      %scan3A_63 = arith.constant 16 : i32
      %scan3A_64 = arith.addi %scan3A, %scan3A_63 : i32
      %scan3A_65 = arith.constant 1 : i32
      scf.for %scan3A_77 = %scan3A to %scan3A_64 step %scan3A_65  : i32 {
        %mul3A_78 = arith.constant 1 : i32
        %mul3A_79 = arith.muli %scan3A_77, %mul3A_78 : i32
        %add3A_80 = arith.constant 0 : i32
        %add3A_81 = arith.addi %add3A_80, %mul3A_79 : i32
        %mul3A_82 = arith.constant 16 : i32
        %mul3A_83 = arith.muli %add3A_81, %mul3A_82 : i32
        %get3A = arith.index_cast %mul3A_83 : i32 to index
        %get3A_84 = tpu.vector_load %arg9[%get3A] {strides = array<i32>} : memref<256xi32, #tpu.memory_space<vmem>>, vector<16xi32>,
        %gather3A = tpu.vector_load_idx %arg5[%get3A_84] : memref<5120xf32, #tpu.memory_space<vmem>>[vector<16xi32>], vector<16xf32>,
        %mul3A_85 = arith.constant 16 : i32
        %mul3A_86 = arith.muli %add3A_81, %mul3A_85 : i32
        %swap3A = arith.constant 0 : i32
        %swap3A_87 = arith.index_cast %swap3A : i32 to index
        %swap3A_88 = arith.index_cast %mul3A_86 : i32 to index
        %swap3A_89 = tpu.vector_load %arg10[%swap3A_87, %swap3A_88] {strides = array<i32>} : memref<4x256xf32, #tpu.memory_space<vmem>>, vector<16xf32>,
        tpu.vector_store %arg10[%swap3A_87, %swap3A_88], %gather3A {strides = array<i32>} : memref<4x256xf32, #tpu.memory_space<vmem>>, vector<16xf32>,
        %gather3A_90 = tpu.vector_load_idx %arg6[%get3A_84] : memref<5120xf32, #tpu.memory_space<vmem>>[vector<16xi32>], vector<16xf32>,
        %mul3A_91 = arith.constant 16 : i32
        %mul3A_92 = arith.muli %add3A_81, %mul3A_91 : i32
        %swap3A_93 = arith.constant 1 : i32
        %swap3A_94 = arith.index_cast %swap3A_93 : i32 to index
        %swap3A_95 = arith.index_cast %mul3A_92 : i32 to index
        %swap3A_96 = tpu.vector_load %arg10[%swap3A_94, %swap3A_95] {strides = array<i32>} : memref<4x256xf32, #tpu.memory_space<vmem>>, vector<16xf32>,
        tpu.vector_store %arg10[%swap3A_94, %swap3A_95], %gather3A_90 {strides = array<i32>} : memref<4x256xf32, #tpu.memory_space<vmem>>, vector<16xf32>,
        %gather3A_97 = tpu.vector_load_idx %arg7[%get3A_84] : memref<5120xf32, #tpu.memory_space<vmem>>[vector<16xi32>], vector<16xf32>,
        %mul3A_98 = arith.constant 16 : i32
        %mul3A_99 = arith.muli %add3A_81, %mul3A_98 : i32
        %swap3A_100 = arith.constant 2 : i32
        %swap3A_101 = arith.index_cast %swap3A_100 : i32 to index
        %swap3A_102 = arith.index_cast %mul3A_99 : i32 to index
        %swap3A_103 = tpu.vector_load %arg10[%swap3A_101, %swap3A_102] {strides = array<i32>} : memref<4x256xf32, #tpu.memory_space<vmem>>, vector<16xf32>,
        tpu.vector_store %arg10[%swap3A_101, %swap3A_102], %gather3A_97 {strides = array<i32>} : memref<4x256xf32, #tpu.memory_space<vmem>>, vector<16xf32>,
        %gather3A_104 = tpu.vector_load_idx %arg8[%get3A_84] : memref<5120xf32, #tpu.memory_space<vmem>>[vector<16xi32>], vector<16xf32>,
        %mul3A_105 = arith.constant 16 : i32
        %mul3A_106 = arith.muli %add3A_81, %mul3A_105 : i32
        %swap3A_107 = arith.constant 3 : i32
        %swap3A_108 = arith.index_cast %swap3A_107 : i32 to index
        %swap3A_109 = arith.index_cast %mul3A_106 : i32 to index
        %swap3A_110 = tpu.vector_load %arg10[%swap3A_108, %swap3A_109] {strides = array<i32>} : memref<4x256xf32, #tpu.memory_space<vmem>>, vector<16xf32>,
        tpu.vector_store %arg10[%swap3A_108, %swap3A_109], %gather3A_104 {strides = array<i32>} : memref<4x256xf32, #tpu.memory_space<vmem>>, vector<16xf32>,
      }
      %scan3A_66 = arith.constant 16 : i32
      %mul3A_67 = arith.constant 256 : i32
      %mul3A_68 = arith.muli %add3A, %mul3A_67 : i32
      %dma_start3A_69 = arith.constant 0 : i32
      %dma_start3A_70 = tpu.memref_slice %arg4[%dma_start3A_69, %mul3A_68] : memref<4x5120xf32, #tpu.memory_space<hbm>> -> memref<4x256xf32, #tpu.memory_space<hbm>>
      %dma_start3A_71 = arith.constant 0 : i32
      %dma_start3A_72 = tpu.memref_slice %arg4[%dma_start3A_71, %mul3A_68] : memref<4x5120xf32, #tpu.memory_space<hbm>> -> memref<4x256xf32, #tpu.memory_space<hbm>>
      tpu.enqueue_dma source(%arg10 : memref<4x256xf32, #tpu.memory_space<vmem>>) target(%dma_start3A_72 : memref<4x256xf32, #tpu.memory_space<hbm>>) target_semaphore(%arg11 : memref<!tpu.dma_semaphore, #tpu.memory_space<semaphore_mem>>)
      %dma_wait3A_73 = arith.constant 0 : i32
      %dma_wait3A_74 = tpu.memref_slice %arg4[%dma_wait3A_73, %mul3A_68] : memref<4x5120xf32, #tpu.memory_space<hbm>> -> memref<4x256xf32, #tpu.memory_space<hbm>>
      %dma_wait3A_75 = arith.constant 0 : i32
      %dma_wait3A_76 = tpu.memref_slice %arg4[%dma_wait3A_75, %mul3A_68] : memref<4x5120xf32, #tpu.memory_space<hbm>> -> memref<4x256xf32, #tpu.memory_space<hbm>>
      tpu.wait_dma2 semaphore(%arg11 : memref<!tpu.dma_semaphore, #tpu.memory_space<semaphore_mem>>) src(%arg10 : memref<4x256xf32, #tpu.memory_space<vmem>>) dst(%dma_wait3A_76 : memref<4x256xf32, #tpu.memory_space<hbm>>)
    } else {
    }
    return
  }
}

module attributes {stable_mosaic.version = 14 : i64} {
  func.func @_nms_body(%arg0: i32, %arg1: memref<10x512x1xf32, #tpu.memory_space<vmem>>, %arg2: memref<10x512x1xf32, #tpu.memory_space<vmem>>, %arg3: memref<10x512x1xf32, #tpu.memory_space<vmem>>, %arg4: memref<10x512x1xf32, #tpu.memory_space<vmem>>, %arg5: memref<10x1x512xf32, #tpu.memory_space<vmem>>, %arg6: memref<10x1x512xf32, #tpu.memory_space<vmem>>, %arg7: memref<10x1x512xf32, #tpu.memory_space<vmem>>, %arg8: memref<10x1x512xf32, #tpu.memory_space<vmem>>, %arg9: memref<1x1x512xf32, #tpu.memory_space<vmem>>, %arg10: memref<10x1x512xf32, #tpu.memory_space<vmem>>) attributes {dimension_semantics = [#tpu.dimension_semantics<arbitrary>], iteration_bounds = array<i64: 10>, scalar_prefetch = 0 : i64, scratch_operands = 1 : i64, tpu.core_type = #tpu.core_type<tc>, window_params = [{pipeline_mode = #tpu.pipeline_mode<synchronous>, transform_indices = @transform_0, window_bounds = array<i64: 10, 512, 1>}, {pipeline_mode = #tpu.pipeline_mode<synchronous>, transform_indices = @transform_1, window_bounds = array<i64: 10, 512, 1>}, {pipeline_mode = #tpu.pipeline_mode<synchronous>, transform_indices = @transform_2, window_bounds = array<i64: 10, 512, 1>}, {pipeline_mode = #tpu.pipeline_mode<synchronous>, transform_indices = @transform_3, window_bounds = array<i64: 10, 512, 1>}, {pipeline_mode = #tpu.pipeline_mode<synchronous>, transform_indices = @transform_4, window_bounds = array<i64: 10, 1, 512>}, {pipeline_mode = #tpu.pipeline_mode<synchronous>, transform_indices = @transform_5, window_bounds = array<i64: 10, 1, 512>}, {pipeline_mode = #tpu.pipeline_mode<synchronous>, transform_indices = @transform_6, window_bounds = array<i64: 10, 1, 512>}, {pipeline_mode = #tpu.pipeline_mode<synchronous>, transform_indices = @transform_7, window_bounds = array<i64: 10, 1, 512>}, {transform_indices = @transform_8, window_bounds = array<i64: 1, 1, 512>}]} {
    %eq3A = arith.constant 0 : i32
    %eq3A_0 = arith.cmpi eq, %arg0, %eq3A : i32
    %convert_element_type3A = arith.extui %eq3A_0 : i1 to i32
    %cond3A = arith.constant 0 : i32
    %cond3A_1 = arith.cmpi ne, %convert_element_type3A, %cond3A : i32
    scf.if %cond3A_1 {
      %broadcast_in_dim3A_140 = arith.constant 0.000000e+00 : f32
      %broadcast_in_dim3A_141 = vector.broadcast %broadcast_in_dim3A_140 : f32 to vector<10x1x512xf32>
      %swap3A_142 = arith.constant 0 : index
      %swap3A_143 = arith.constant 0 : index
      %swap3A_144 = arith.constant 0 : index
      %swap3A_145 = vector.load %arg10[%swap3A_142, %swap3A_143, %swap3A_144] : memref<10x1x512xf32, #tpu.memory_space<vmem>>, vector<10x1x512xf32>
      tpu.vector_store %arg10[%swap3A_142, %swap3A_143, %swap3A_144], %broadcast_in_dim3A_141 {strides = array<i32>} : memref<10x1x512xf32, #tpu.memory_space<vmem>>, vector<10x1x512xf32>,
    } else {
    }
    %get3A = arith.index_cast %arg0 : i32 to index
    %get3A_2 = arith.constant 0 : index
    %get3A_3 = arith.constant 0 : index
    %get3A_4 = vector.load %arg1[%get3A, %get3A_2, %get3A_3] : memref<10x512x1xf32, #tpu.memory_space<vmem>>, vector<1x512x1xf32>
    %get3A_5 = vector.shape_cast %get3A_4 : vector<1x512x1xf32> to vector<512x1xf32>
    %get3A_6 = arith.index_cast %arg0 : i32 to index
    %get3A_7 = arith.constant 0 : index
    %get3A_8 = arith.constant 0 : index
    %get3A_9 = vector.load %arg2[%get3A_6, %get3A_7, %get3A_8] : memref<10x512x1xf32, #tpu.memory_space<vmem>>, vector<1x512x1xf32>
    %get3A_10 = vector.shape_cast %get3A_9 : vector<1x512x1xf32> to vector<512x1xf32>
    %get3A_11 = arith.index_cast %arg0 : i32 to index
    %get3A_12 = arith.constant 0 : index
    %get3A_13 = arith.constant 0 : index
    %get3A_14 = vector.load %arg3[%get3A_11, %get3A_12, %get3A_13] : memref<10x512x1xf32, #tpu.memory_space<vmem>>, vector<1x512x1xf32>
    %get3A_15 = vector.shape_cast %get3A_14 : vector<1x512x1xf32> to vector<512x1xf32>
    %get3A_16 = arith.index_cast %arg0 : i32 to index
    %get3A_17 = arith.constant 0 : index
    %get3A_18 = arith.constant 0 : index
    %get3A_19 = vector.load %arg4[%get3A_16, %get3A_17, %get3A_18] : memref<10x512x1xf32, #tpu.memory_space<vmem>>, vector<1x512x1xf32>
    %get3A_20 = vector.shape_cast %get3A_19 : vector<1x512x1xf32> to vector<512x1xf32>
    %get3A_21 = arith.index_cast %arg0 : i32 to index
    %get3A_22 = arith.constant 0 : index
    %get3A_23 = arith.constant 0 : index
    %get3A_24 = vector.load %arg5[%get3A_21, %get3A_22, %get3A_23] : memref<10x1x512xf32, #tpu.memory_space<vmem>>, vector<1x1x512xf32>
    %get3A_25 = vector.shape_cast %get3A_24 : vector<1x1x512xf32> to vector<1x512xf32>
    %get3A_26 = arith.index_cast %arg0 : i32 to index
    %get3A_27 = arith.constant 0 : index
    %get3A_28 = arith.constant 0 : index
    %get3A_29 = vector.load %arg6[%get3A_26, %get3A_27, %get3A_28] : memref<10x1x512xf32, #tpu.memory_space<vmem>>, vector<1x1x512xf32>
    %get3A_30 = vector.shape_cast %get3A_29 : vector<1x1x512xf32> to vector<1x512xf32>
    %get3A_31 = arith.index_cast %arg0 : i32 to index
    %get3A_32 = arith.constant 0 : index
    %get3A_33 = arith.constant 0 : index
    %get3A_34 = vector.load %arg7[%get3A_31, %get3A_32, %get3A_33] : memref<10x1x512xf32, #tpu.memory_space<vmem>>, vector<1x1x512xf32>
    %get3A_35 = vector.shape_cast %get3A_34 : vector<1x1x512xf32> to vector<1x512xf32>
    %get3A_36 = arith.index_cast %arg0 : i32 to index
    %get3A_37 = arith.constant 0 : index
    %get3A_38 = arith.constant 0 : index
    %get3A_39 = vector.load %arg8[%get3A_36, %get3A_37, %get3A_38] : memref<10x1x512xf32, #tpu.memory_space<vmem>>, vector<1x1x512xf32>
    %get3A_40 = vector.shape_cast %get3A_39 : vector<1x1x512xf32> to vector<1x512xf32>
    %sub3A = vector.broadcast %get3A_5 : vector<512x1xf32> to vector<512x512xf32>
    %sub3A_41 = vector.broadcast %get3A_25 : vector<1x512xf32> to vector<512x512xf32>
    %sub3A_42 = arith.subf %sub3A, %sub3A_41 : vector<512x512xf32>
    %sub3A_43 = vector.broadcast %get3A_10 : vector<512x1xf32> to vector<512x512xf32>
    %sub3A_44 = vector.broadcast %get3A_30 : vector<1x512xf32> to vector<512x512xf32>
    %sub3A_45 = arith.subf %sub3A_43, %sub3A_44 : vector<512x512xf32>
    %sub3A_46 = vector.broadcast %get3A_15 : vector<512x1xf32> to vector<512x512xf32>
    %sub3A_47 = vector.broadcast %get3A_35 : vector<1x512xf32> to vector<512x512xf32>
    %sub3A_48 = arith.subf %sub3A_46, %sub3A_47 : vector<512x512xf32>
    %mul3A = arith.mulf %sub3A_42, %sub3A_42 : vector<512x512xf32>
    %mul3A_49 = arith.mulf %sub3A_45, %sub3A_45 : vector<512x512xf32>
    %add3A = arith.addf %mul3A, %mul3A_49 : vector<512x512xf32>
    %mul3A_50 = arith.mulf %sub3A_48, %sub3A_48 : vector<512x512xf32>
    %add3A_51 = arith.addf %add3A, %mul3A_50 : vector<512x512xf32>
    %sqrt3A = math.sqrt %add3A_51 : vector<512x512xf32>
    %sub3A_52 = vector.broadcast %get3A_20 : vector<512x1xf32> to vector<512x512xf32>
    %sub3A_53 = vector.broadcast %get3A_40 : vector<1x512xf32> to vector<512x512xf32>
    %sub3A_54 = arith.subf %sub3A_52, %sub3A_53 : vector<512x512xf32>
    %abs3A = math.absf %sub3A_54 : vector<512x512xf32>
    %le3A = arith.cmpf ole, %sqrt3A, %abs3A : vector<512x512xf32>
    %add3A_55 = vector.broadcast %get3A_20 : vector<512x1xf32> to vector<512x512xf32>
    %add3A_56 = vector.broadcast %get3A_40 : vector<1x512xf32> to vector<512x512xf32>
    %add3A_57 = arith.addf %add3A_55, %add3A_56 : vector<512x512xf32>
    %gt3A = arith.cmpf ogt, %sqrt3A, %abs3A : vector<512x512xf32>
    %lt3A = arith.cmpf olt, %sqrt3A, %add3A_57 : vector<512x512xf32>
    %and3A = arith.andi %gt3A, %lt3A : vector<512x512xi1>
    %min3A = vector.broadcast %get3A_20 : vector<512x1xf32> to vector<512x512xf32>
    %min3A_58 = vector.broadcast %get3A_40 : vector<1x512xf32> to vector<512x512xf32>
    %min3A_59 = arith.minimumf %min3A, %min3A_58 : vector<512x512xf32>
    %max3A = vector.broadcast %get3A_20 : vector<512x1xf32> to vector<512x512xf32>
    %max3A_60 = vector.broadcast %get3A_40 : vector<1x512xf32> to vector<512x512xf32>
    %max3A_61 = arith.maximumf %max3A, %max3A_60 : vector<512x512xf32>
    %div3A = arith.divf %min3A_59, %max3A_61 : vector<512x512xf32>
    %mul3A_62 = arith.mulf %div3A, %div3A : vector<512x512xf32>
    %mul3A_63 = arith.mulf %mul3A_62, %div3A : vector<512x512xf32>
    %sub3A_64 = arith.subf %add3A_57, %sqrt3A : vector<512x512xf32>
    %mul3A_65 = arith.mulf %sub3A_64, %sub3A_64 : vector<512x512xf32>
    %mul3A_66 = arith.mulf %sqrt3A, %sqrt3A : vector<512x512xf32>
    %mul3A_67 = arith.constant 2.000000e+00 : f32
    %mul3A_68 = vector.broadcast %mul3A_67 : f32 to vector<512x512xf32>
    %mul3A_69 = arith.mulf %mul3A_68, %sqrt3A : vector<512x512xf32>
    %mul3A_70 = arith.mulf %mul3A_69, %add3A_57 : vector<512x512xf32>
    %add3A_71 = arith.addf %mul3A_66, %mul3A_70 : vector<512x512xf32>
    %mul3A_72 = arith.mulf %abs3A, %abs3A : vector<512x512xf32>
    %mul3A_73 = arith.constant 3.000000e+00 : f32
    %mul3A_74 = vector.broadcast %mul3A_73 : f32 to vector<512x512xf32>
    %mul3A_75 = arith.mulf %mul3A_74, %mul3A_72 : vector<512x512xf32>
    %sub3A_76 = arith.subf %add3A_71, %mul3A_75 : vector<512x512xf32>
    %mul3A_77 = arith.mulf %mul3A_65, %sub3A_76 : vector<512x512xf32>
    %mul3A_78 = arith.constant 1.200000e+01 : f32
    %mul3A_79 = vector.broadcast %mul3A_78 : f32 to vector<512x512xf32>
    %mul3A_80 = arith.mulf %mul3A_79, %sqrt3A : vector<512x512xf32>
    %div3A_81 = arith.constant 3.14159274 : f32
    %div3A_82 = vector.broadcast %div3A_81 : f32 to vector<512x512xf32>
    %div3A_83 = arith.divf %div3A_82, %mul3A_80 : vector<512x512xf32>
    %mul3A_84 = arith.mulf %mul3A_77, %div3A_83 : vector<512x512xf32>
    %mul3A_85 = arith.mulf %get3A_20, %get3A_20 : vector<512x1xf32>
    %mul3A_86 = arith.mulf %mul3A_85, %get3A_20 : vector<512x1xf32>
    %mul3A_87 = arith.mulf %get3A_40, %get3A_40 : vector<1x512xf32>
    %mul3A_88 = arith.mulf %mul3A_87, %get3A_40 : vector<1x512xf32>
    %add3A_89 = vector.broadcast %mul3A_86 : vector<512x1xf32> to vector<512x512xf32>
    %add3A_90 = vector.broadcast %mul3A_88 : vector<1x512xf32> to vector<512x512xf32>
    %add3A_91 = arith.addf %add3A_89, %add3A_90 : vector<512x512xf32>
    %mul3A_92 = arith.constant 4.18879032 : f32
    %mul3A_93 = vector.broadcast %mul3A_92 : f32 to vector<512x512xf32>
    %mul3A_94 = arith.mulf %mul3A_93, %add3A_91 : vector<512x512xf32>
    %sub3A_95 = arith.subf %mul3A_94, %mul3A_84 : vector<512x512xf32>
    %div3A_96 = arith.divf %mul3A_84, %sub3A_95 : vector<512x512xf32>
    %jit3A = arith.constant 0.000000e+00 : f32
    %broadcast_in_dim3A = vector.broadcast %jit3A : f32 to vector<512x512xf32>
    %select_n3A = arith.select %and3A, %div3A_96, %broadcast_in_dim3A : vector<512x512xi1>, vector<512x512xf32>
    %select_n3A_97 = arith.select %le3A, %mul3A_63, %select_n3A : vector<512x512xi1>, vector<512x512xf32>
    %gt3A_98 = arith.constant 3.000000e-01 : f32
    %gt3A_99 = vector.broadcast %gt3A_98 : f32 to vector<512x512xf32>
    %gt3A_100 = arith.cmpf ogt, %select_n3A_97, %gt3A_99 : vector<512x512xf32>
    %iota3A = tpu.iota {dimensions = array<i32: 0>} : vector<512x512xi32>
    %iota3A_101 = tpu.iota {dimensions = array<i32: 1>} : vector<512x512xi32>
    %gt3A_102 = arith.cmpi sgt, %iota3A_101, %iota3A : vector<512x512xi32>
    %and3A_103 = arith.andi %gt3A_102, %gt3A_100 : vector<512x512xi1>
    %convert_element_type3A_104 = arith.extui %and3A_103 : vector<512x512xi1> to vector<512x512xi32>
    %convert_element_type3A_105 = arith.sitofp %convert_element_type3A_104 : vector<512x512xi32> to vector<512x512xf32>
    %convert_element_type3A_106 = arith.truncf %convert_element_type3A_105 : vector<512x512xf32> to vector<512x512xbf16>
    %get3A_107 = arith.index_cast %arg0 : i32 to index
    %get3A_108 = arith.constant 0 : index
    %get3A_109 = arith.constant 0 : index
    %get3A_110 = vector.load %arg10[%get3A_107, %get3A_108, %get3A_109] : memref<10x1x512xf32, #tpu.memory_space<vmem>>, vector<1x1x512xf32>
    %get3A_111 = vector.shape_cast %get3A_110 : vector<1x1x512xf32> to vector<1x512xf32>
    %sub3A_112 = arith.constant 1.000000e+00 : f32
    %sub3A_113 = vector.broadcast %sub3A_112 : f32 to vector<1x512xf32>
    %sub3A_114 = arith.subf %sub3A_113, %get3A_111 : vector<1x512xf32>
    %while3A = arith.constant true
    %while3A_115:2 = scf.while (%while3A_140 = %while3A, %while3A_141 = %sub3A_114) : (i1, vector<1x512xf32>) -> (i1, vector<1x512xf32>) {
      scf.condition(%while3A_140) %while3A_140, %while3A_141 : i1, vector<1x512xf32>
    } do {
    ^bb0(%while3A_140: i1, %while3A_141: vector<1x512xf32>):
      %convert_element_type3A_142 = arith.truncf %while3A_141 : vector<1x512xf32> to vector<1x512xbf16>
      %dot_general3A = arith.constant dense<0.000000e+00> : vector<1x512xf32>
      %dot_general3A_143 = tpu.matmul %convert_element_type3A_142, %convert_element_type3A_106, %dot_general3A {dimension_numbers = #tpu.dot_dimension_numbers<[1], [0], [0], [1], [0, 0, 1, 1], [], []>, transpose_lhs_hint = false} : vector<1x512xbf16>, vector<512x512xbf16>, vector<1x512xf32> -> vector<1x512xf32>
      %lt3A_144 = arith.constant 5.000000e-01 : f32
      %lt3A_145 = vector.broadcast %lt3A_144 : f32 to vector<1x512xf32>
      %lt3A_146 = arith.cmpf olt, %dot_general3A_143, %lt3A_145 : vector<1x512xf32>
      %jit3A_147 = arith.constant 0.000000e+00 : f32
      %broadcast_in_dim3A_148 = vector.broadcast %jit3A_147 : f32 to vector<1x512xf32>
      %select_n3A_149 = arith.select %lt3A_146, %sub3A_114, %broadcast_in_dim3A_148 : vector<1x512xi1>, vector<1x512xf32>
      %sub3A_150 = arith.subf %select_n3A_149, %while3A_141 : vector<1x512xf32>
      %abs3A_151 = math.absf %sub3A_150 : vector<1x512xf32>
      %reduce_max3A = vector.shape_cast %abs3A_151 : vector<1x512xf32> to vector<1x1x512xf32>
      %reduce_max3A_152 = arith.constant dense<0xFF800000> : vector<1xf32>
      %reduce_max3A_153 = vector.multi_reduction <maximumf>, %reduce_max3A, %reduce_max3A_152 [1, 2] : vector<1x1x512xf32> to vector<1xf32>
      %reduce_max3A_154 = vector.shape_cast %reduce_max3A_153 : vector<1xf32> to vector<1x1x1xf32>
      %reduce_max3A_155 = vector.extract %reduce_max3A_154[0, 0, 0] : f32 from vector<1x1x1xf32>
      %gt3A_156 = arith.constant 5.000000e-01 : f32
      %gt3A_157 = arith.cmpf ogt, %reduce_max3A_155, %gt3A_156 : f32
      scf.yield %gt3A_157, %select_n3A_149 : i1, vector<1x512xf32>
    }
    %reshape3A = vector.shape_cast %while3A_115#1 : vector<1x512xf32> to vector<1x1x512xf32>
    %swap3A = arith.constant 0 : index
    %swap3A_116 = arith.constant 0 : index
    %swap3A_117 = arith.constant 0 : index
    %swap3A_118 = vector.load %arg9[%swap3A, %swap3A_116, %swap3A_117] : memref<1x1x512xf32, #tpu.memory_space<vmem>>, vector<1x1x512xf32>
    tpu.vector_store %arg9[%swap3A, %swap3A_116, %swap3A_117], %reshape3A {strides = array<i32>} : memref<1x1x512xf32, #tpu.memory_space<vmem>>, vector<1x1x512xf32>,
    %convert_element_type3A_119 = arith.truncf %while3A_115#1 : vector<1x512xf32> to vector<1x512xbf16>
    %add3A_120 = arith.constant 1 : i32
    %add3A_121 = arith.addi %arg0, %add3A_120 : i32
    %broadcast_in_dim3A_122 = arith.constant 0.000000e+00 : bf16
    %broadcast_in_dim3A_123 = vector.broadcast %broadcast_in_dim3A_122 : bf16 to vector<512x512xbf16>
    %while3A_124 = arith.constant 10 : i32
    %while3A_125 = arith.subi %while3A_124, %add3A_121 : i32
    %while3A_126 = arith.addi %add3A_121, %while3A_125 : i32
    %while3A_127 = arith.constant 1 : i32
    %while3A_128 = arith.divsi %while3A_125, %while3A_127 : i32
    %while3A_129 = arith.muli %while3A_128, %while3A_127 : i32
    %while3A_130 = arith.addi %add3A_121, %while3A_129 : i32
    %while3A_131 = arith.constant 1 : i32
    %while3A_132 = scf.for %while3A_140 = %add3A_121 to %while3A_130 step %while3A_131 iter_args(%while3A_141 = %broadcast_in_dim3A_123) -> (vector<512x512xbf16>)  : i32 {
      %add3A_142 = arith.constant 1 : i32
      %add3A_143 = arith.addi %arg0, %add3A_142 : i32
      %gt3A_144 = arith.cmpi sgt, %while3A_140, %add3A_143 : i32
      %convert_element_type3A_145 = arith.extui %gt3A_144 : i1 to i32
      %cond3A_146 = arith.constant 0 : i32
      %cond3A_147 = arith.cmpi ne, %convert_element_type3A_145, %cond3A_146 : i32
      scf.if %cond3A_147 {
        %sub3A_246 = arith.constant 1 : i32
        %sub3A_247 = arith.subi %while3A_140, %sub3A_246 : i32
        %dot_general3A = arith.constant dense<0.000000e+00> : vector<1x512xf32>
        %dot_general3A_248 = tpu.matmul %convert_element_type3A_119, %while3A_141, %dot_general3A {dimension_numbers = #tpu.dot_dimension_numbers<[1], [0], [0], [1], [0, 0, 1, 1], [], []>, transpose_lhs_hint = false} : vector<1x512xbf16>, vector<512x512xbf16>, vector<1x512xf32> -> vector<1x512xf32>
        %gt3A_249 = arith.constant 5.000000e-01 : f32
        %gt3A_250 = vector.broadcast %gt3A_249 : f32 to vector<1x512xf32>
        %gt3A_251 = arith.cmpf ogt, %dot_general3A_248, %gt3A_250 : vector<1x512xf32>
        %get3A_252 = arith.index_cast %sub3A_247 : i32 to index
        %get3A_253 = arith.constant 0 : index
        %get3A_254 = arith.constant 0 : index
        %get3A_255 = vector.load %arg10[%get3A_252, %get3A_253, %get3A_254] : memref<10x1x512xf32, #tpu.memory_space<vmem>>, vector<1x1x512xf32>
        %get3A_256 = vector.shape_cast %get3A_255 : vector<1x1x512xf32> to vector<1x512xf32>
        %jit3A_257 = arith.constant 1.000000e+00 : f32
        %broadcast_in_dim3A_258 = vector.broadcast %jit3A_257 : f32 to vector<1x512xf32>
        %select_n3A_259 = arith.select %gt3A_251, %broadcast_in_dim3A_258, %get3A_256 : vector<1x512xi1>, vector<1x512xf32>
        %swap3A_260 = arith.index_cast %sub3A_247 : i32 to index
        %swap3A_261 = arith.constant 0 : index
        %swap3A_262 = arith.constant 0 : index
        %swap3A_263 = vector.load %arg10[%swap3A_260, %swap3A_261, %swap3A_262] : memref<10x1x512xf32, #tpu.memory_space<vmem>>, vector<1x1x512xf32>
        %swap3A_264 = vector.shape_cast %swap3A_263 : vector<1x1x512xf32> to vector<1x512xf32>
        %swap3A_265 = vector.shape_cast %select_n3A_259 : vector<1x512xf32> to vector<1x1x512xf32>
        tpu.vector_store %arg10[%swap3A_260, %swap3A_261, %swap3A_262], %swap3A_265 {strides = array<i32>} : memref<10x1x512xf32, #tpu.memory_space<vmem>>, vector<1x1x512xf32>,
      } else {
      }
      %get3A_148 = arith.index_cast %while3A_140 : i32 to index
      %get3A_149 = arith.constant 0 : index
      %get3A_150 = arith.constant 0 : index
      %get3A_151 = vector.load %arg5[%get3A_148, %get3A_149, %get3A_150] : memref<10x1x512xf32, #tpu.memory_space<vmem>>, vector<1x1x512xf32>
      %get3A_152 = vector.shape_cast %get3A_151 : vector<1x1x512xf32> to vector<1x512xf32>
      %get3A_153 = arith.index_cast %while3A_140 : i32 to index
      %get3A_154 = arith.constant 0 : index
      %get3A_155 = arith.constant 0 : index
      %get3A_156 = vector.load %arg6[%get3A_153, %get3A_154, %get3A_155] : memref<10x1x512xf32, #tpu.memory_space<vmem>>, vector<1x1x512xf32>
      %get3A_157 = vector.shape_cast %get3A_156 : vector<1x1x512xf32> to vector<1x512xf32>
      %get3A_158 = arith.index_cast %while3A_140 : i32 to index
      %get3A_159 = arith.constant 0 : index
      %get3A_160 = arith.constant 0 : index
      %get3A_161 = vector.load %arg7[%get3A_158, %get3A_159, %get3A_160] : memref<10x1x512xf32, #tpu.memory_space<vmem>>, vector<1x1x512xf32>
      %get3A_162 = vector.shape_cast %get3A_161 : vector<1x1x512xf32> to vector<1x512xf32>
      %get3A_163 = arith.index_cast %while3A_140 : i32 to index
      %get3A_164 = arith.constant 0 : index
      %get3A_165 = arith.constant 0 : index
      %get3A_166 = vector.load %arg8[%get3A_163, %get3A_164, %get3A_165] : memref<10x1x512xf32, #tpu.memory_space<vmem>>, vector<1x1x512xf32>
      %get3A_167 = vector.shape_cast %get3A_166 : vector<1x1x512xf32> to vector<1x512xf32>
      %sub3A_168 = vector.broadcast %get3A_5 : vector<512x1xf32> to vector<512x512xf32>
      %sub3A_169 = vector.broadcast %get3A_152 : vector<1x512xf32> to vector<512x512xf32>
      %sub3A_170 = arith.subf %sub3A_168, %sub3A_169 : vector<512x512xf32>
      %sub3A_171 = vector.broadcast %get3A_10 : vector<512x1xf32> to vector<512x512xf32>
      %sub3A_172 = vector.broadcast %get3A_157 : vector<1x512xf32> to vector<512x512xf32>
      %sub3A_173 = arith.subf %sub3A_171, %sub3A_172 : vector<512x512xf32>
      %sub3A_174 = vector.broadcast %get3A_15 : vector<512x1xf32> to vector<512x512xf32>
      %sub3A_175 = vector.broadcast %get3A_162 : vector<1x512xf32> to vector<512x512xf32>
      %sub3A_176 = arith.subf %sub3A_174, %sub3A_175 : vector<512x512xf32>
      %mul3A_177 = arith.mulf %sub3A_170, %sub3A_170 : vector<512x512xf32>
      %mul3A_178 = arith.mulf %sub3A_173, %sub3A_173 : vector<512x512xf32>
      %add3A_179 = arith.addf %mul3A_177, %mul3A_178 : vector<512x512xf32>
      %mul3A_180 = arith.mulf %sub3A_176, %sub3A_176 : vector<512x512xf32>
      %add3A_181 = arith.addf %add3A_179, %mul3A_180 : vector<512x512xf32>
      %sqrt3A_182 = math.sqrt %add3A_181 : vector<512x512xf32>
      %sub3A_183 = vector.broadcast %get3A_20 : vector<512x1xf32> to vector<512x512xf32>
      %sub3A_184 = vector.broadcast %get3A_167 : vector<1x512xf32> to vector<512x512xf32>
      %sub3A_185 = arith.subf %sub3A_183, %sub3A_184 : vector<512x512xf32>
      %abs3A_186 = math.absf %sub3A_185 : vector<512x512xf32>
      %le3A_187 = arith.cmpf ole, %sqrt3A_182, %abs3A_186 : vector<512x512xf32>
      %add3A_188 = vector.broadcast %get3A_20 : vector<512x1xf32> to vector<512x512xf32>
      %add3A_189 = vector.broadcast %get3A_167 : vector<1x512xf32> to vector<512x512xf32>
      %add3A_190 = arith.addf %add3A_188, %add3A_189 : vector<512x512xf32>
      %gt3A_191 = arith.cmpf ogt, %sqrt3A_182, %abs3A_186 : vector<512x512xf32>
      %lt3A_192 = arith.cmpf olt, %sqrt3A_182, %add3A_190 : vector<512x512xf32>
      %and3A_193 = arith.andi %gt3A_191, %lt3A_192 : vector<512x512xi1>
      %min3A_194 = vector.broadcast %get3A_20 : vector<512x1xf32> to vector<512x512xf32>
      %min3A_195 = vector.broadcast %get3A_167 : vector<1x512xf32> to vector<512x512xf32>
      %min3A_196 = arith.minimumf %min3A_194, %min3A_195 : vector<512x512xf32>
      %max3A_197 = vector.broadcast %get3A_20 : vector<512x1xf32> to vector<512x512xf32>
      %max3A_198 = vector.broadcast %get3A_167 : vector<1x512xf32> to vector<512x512xf32>
      %max3A_199 = arith.maximumf %max3A_197, %max3A_198 : vector<512x512xf32>
      %div3A_200 = arith.divf %min3A_196, %max3A_199 : vector<512x512xf32>
      %mul3A_201 = arith.mulf %div3A_200, %div3A_200 : vector<512x512xf32>
      %mul3A_202 = arith.mulf %mul3A_201, %div3A_200 : vector<512x512xf32>
      %sub3A_203 = arith.subf %add3A_190, %sqrt3A_182 : vector<512x512xf32>
      %mul3A_204 = arith.mulf %sub3A_203, %sub3A_203 : vector<512x512xf32>
      %mul3A_205 = arith.mulf %sqrt3A_182, %sqrt3A_182 : vector<512x512xf32>
      %mul3A_206 = arith.constant 2.000000e+00 : f32
      %mul3A_207 = vector.broadcast %mul3A_206 : f32 to vector<512x512xf32>
      %mul3A_208 = arith.mulf %mul3A_207, %sqrt3A_182 : vector<512x512xf32>
      %mul3A_209 = arith.mulf %mul3A_208, %add3A_190 : vector<512x512xf32>
      %add3A_210 = arith.addf %mul3A_205, %mul3A_209 : vector<512x512xf32>
      %mul3A_211 = arith.mulf %abs3A_186, %abs3A_186 : vector<512x512xf32>
      %mul3A_212 = arith.constant 3.000000e+00 : f32
      %mul3A_213 = vector.broadcast %mul3A_212 : f32 to vector<512x512xf32>
      %mul3A_214 = arith.mulf %mul3A_213, %mul3A_211 : vector<512x512xf32>
      %sub3A_215 = arith.subf %add3A_210, %mul3A_214 : vector<512x512xf32>
      %mul3A_216 = arith.mulf %mul3A_204, %sub3A_215 : vector<512x512xf32>
      %mul3A_217 = arith.constant 1.200000e+01 : f32
      %mul3A_218 = vector.broadcast %mul3A_217 : f32 to vector<512x512xf32>
      %mul3A_219 = arith.mulf %mul3A_218, %sqrt3A_182 : vector<512x512xf32>
      %div3A_220 = arith.constant 3.14159274 : f32
      %div3A_221 = vector.broadcast %div3A_220 : f32 to vector<512x512xf32>
      %div3A_222 = arith.divf %div3A_221, %mul3A_219 : vector<512x512xf32>
      %mul3A_223 = arith.mulf %mul3A_216, %div3A_222 : vector<512x512xf32>
      %mul3A_224 = arith.mulf %get3A_20, %get3A_20 : vector<512x1xf32>
      %mul3A_225 = arith.mulf %mul3A_224, %get3A_20 : vector<512x1xf32>
      %mul3A_226 = arith.mulf %get3A_167, %get3A_167 : vector<1x512xf32>
      %mul3A_227 = arith.mulf %mul3A_226, %get3A_167 : vector<1x512xf32>
      %add3A_228 = vector.broadcast %mul3A_225 : vector<512x1xf32> to vector<512x512xf32>
      %add3A_229 = vector.broadcast %mul3A_227 : vector<1x512xf32> to vector<512x512xf32>
      %add3A_230 = arith.addf %add3A_228, %add3A_229 : vector<512x512xf32>
      %mul3A_231 = arith.constant 4.18879032 : f32
      %mul3A_232 = vector.broadcast %mul3A_231 : f32 to vector<512x512xf32>
      %mul3A_233 = arith.mulf %mul3A_232, %add3A_230 : vector<512x512xf32>
      %sub3A_234 = arith.subf %mul3A_233, %mul3A_223 : vector<512x512xf32>
      %div3A_235 = arith.divf %mul3A_223, %sub3A_234 : vector<512x512xf32>
      %jit3A_236 = arith.constant 0.000000e+00 : f32
      %broadcast_in_dim3A_237 = vector.broadcast %jit3A_236 : f32 to vector<512x512xf32>
      %select_n3A_238 = arith.select %and3A_193, %div3A_235, %broadcast_in_dim3A_237 : vector<512x512xi1>, vector<512x512xf32>
      %select_n3A_239 = arith.select %le3A_187, %mul3A_202, %select_n3A_238 : vector<512x512xi1>, vector<512x512xf32>
      %gt3A_240 = arith.constant 3.000000e-01 : f32
      %gt3A_241 = vector.broadcast %gt3A_240 : f32 to vector<512x512xf32>
      %gt3A_242 = arith.cmpf ogt, %select_n3A_239, %gt3A_241 : vector<512x512xf32>
      %convert_element_type3A_243 = arith.extui %gt3A_242 : vector<512x512xi1> to vector<512x512xi32>
      %convert_element_type3A_244 = arith.sitofp %convert_element_type3A_243 : vector<512x512xi32> to vector<512x512xf32>
      %convert_element_type3A_245 = arith.truncf %convert_element_type3A_244 : vector<512x512xf32> to vector<512x512xbf16>
      scf.yield %convert_element_type3A_245 : vector<512x512xbf16>
    }
    %while3A_133 = arith.constant 1 : i32
    %while3A_134 = scf.for %while3A_140 = %while3A_130 to %while3A_126 step %while3A_133 iter_args(%while3A_141 = %while3A_132) -> (vector<512x512xbf16>)  : i32 {
      %add3A_142 = arith.constant 1 : i32
      %add3A_143 = arith.addi %arg0, %add3A_142 : i32
      %gt3A_144 = arith.cmpi sgt, %while3A_140, %add3A_143 : i32
      %convert_element_type3A_145 = arith.extui %gt3A_144 : i1 to i32
      %cond3A_146 = arith.constant 0 : i32
      %cond3A_147 = arith.cmpi ne, %convert_element_type3A_145, %cond3A_146 : i32
      scf.if %cond3A_147 {
        %sub3A_246 = arith.constant 1 : i32
        %sub3A_247 = arith.subi %while3A_140, %sub3A_246 : i32
        %dot_general3A = arith.constant dense<0.000000e+00> : vector<1x512xf32>
        %dot_general3A_248 = tpu.matmul %convert_element_type3A_119, %while3A_141, %dot_general3A {dimension_numbers = #tpu.dot_dimension_numbers<[1], [0], [0], [1], [0, 0, 1, 1], [], []>, transpose_lhs_hint = false} : vector<1x512xbf16>, vector<512x512xbf16>, vector<1x512xf32> -> vector<1x512xf32>
        %gt3A_249 = arith.constant 5.000000e-01 : f32
        %gt3A_250 = vector.broadcast %gt3A_249 : f32 to vector<1x512xf32>
        %gt3A_251 = arith.cmpf ogt, %dot_general3A_248, %gt3A_250 : vector<1x512xf32>
        %get3A_252 = arith.index_cast %sub3A_247 : i32 to index
        %get3A_253 = arith.constant 0 : index
        %get3A_254 = arith.constant 0 : index
        %get3A_255 = vector.load %arg10[%get3A_252, %get3A_253, %get3A_254] : memref<10x1x512xf32, #tpu.memory_space<vmem>>, vector<1x1x512xf32>
        %get3A_256 = vector.shape_cast %get3A_255 : vector<1x1x512xf32> to vector<1x512xf32>
        %jit3A_257 = arith.constant 1.000000e+00 : f32
        %broadcast_in_dim3A_258 = vector.broadcast %jit3A_257 : f32 to vector<1x512xf32>
        %select_n3A_259 = arith.select %gt3A_251, %broadcast_in_dim3A_258, %get3A_256 : vector<1x512xi1>, vector<1x512xf32>
        %swap3A_260 = arith.index_cast %sub3A_247 : i32 to index
        %swap3A_261 = arith.constant 0 : index
        %swap3A_262 = arith.constant 0 : index
        %swap3A_263 = vector.load %arg10[%swap3A_260, %swap3A_261, %swap3A_262] : memref<10x1x512xf32, #tpu.memory_space<vmem>>, vector<1x1x512xf32>
        %swap3A_264 = vector.shape_cast %swap3A_263 : vector<1x1x512xf32> to vector<1x512xf32>
        %swap3A_265 = vector.shape_cast %select_n3A_259 : vector<1x512xf32> to vector<1x1x512xf32>
        tpu.vector_store %arg10[%swap3A_260, %swap3A_261, %swap3A_262], %swap3A_265 {strides = array<i32>} : memref<10x1x512xf32, #tpu.memory_space<vmem>>, vector<1x1x512xf32>,
      } else {
      }
      %get3A_148 = arith.index_cast %while3A_140 : i32 to index
      %get3A_149 = arith.constant 0 : index
      %get3A_150 = arith.constant 0 : index
      %get3A_151 = vector.load %arg5[%get3A_148, %get3A_149, %get3A_150] : memref<10x1x512xf32, #tpu.memory_space<vmem>>, vector<1x1x512xf32>
      %get3A_152 = vector.shape_cast %get3A_151 : vector<1x1x512xf32> to vector<1x512xf32>
      %get3A_153 = arith.index_cast %while3A_140 : i32 to index
      %get3A_154 = arith.constant 0 : index
      %get3A_155 = arith.constant 0 : index
      %get3A_156 = vector.load %arg6[%get3A_153, %get3A_154, %get3A_155] : memref<10x1x512xf32, #tpu.memory_space<vmem>>, vector<1x1x512xf32>
      %get3A_157 = vector.shape_cast %get3A_156 : vector<1x1x512xf32> to vector<1x512xf32>
      %get3A_158 = arith.index_cast %while3A_140 : i32 to index
      %get3A_159 = arith.constant 0 : index
      %get3A_160 = arith.constant 0 : index
      %get3A_161 = vector.load %arg7[%get3A_158, %get3A_159, %get3A_160] : memref<10x1x512xf32, #tpu.memory_space<vmem>>, vector<1x1x512xf32>
      %get3A_162 = vector.shape_cast %get3A_161 : vector<1x1x512xf32> to vector<1x512xf32>
      %get3A_163 = arith.index_cast %while3A_140 : i32 to index
      %get3A_164 = arith.constant 0 : index
      %get3A_165 = arith.constant 0 : index
      %get3A_166 = vector.load %arg8[%get3A_163, %get3A_164, %get3A_165] : memref<10x1x512xf32, #tpu.memory_space<vmem>>, vector<1x1x512xf32>
      %get3A_167 = vector.shape_cast %get3A_166 : vector<1x1x512xf32> to vector<1x512xf32>
      %sub3A_168 = vector.broadcast %get3A_5 : vector<512x1xf32> to vector<512x512xf32>
      %sub3A_169 = vector.broadcast %get3A_152 : vector<1x512xf32> to vector<512x512xf32>
      %sub3A_170 = arith.subf %sub3A_168, %sub3A_169 : vector<512x512xf32>
      %sub3A_171 = vector.broadcast %get3A_10 : vector<512x1xf32> to vector<512x512xf32>
      %sub3A_172 = vector.broadcast %get3A_157 : vector<1x512xf32> to vector<512x512xf32>
      %sub3A_173 = arith.subf %sub3A_171, %sub3A_172 : vector<512x512xf32>
      %sub3A_174 = vector.broadcast %get3A_15 : vector<512x1xf32> to vector<512x512xf32>
      %sub3A_175 = vector.broadcast %get3A_162 : vector<1x512xf32> to vector<512x512xf32>
      %sub3A_176 = arith.subf %sub3A_174, %sub3A_175 : vector<512x512xf32>
      %mul3A_177 = arith.mulf %sub3A_170, %sub3A_170 : vector<512x512xf32>
      %mul3A_178 = arith.mulf %sub3A_173, %sub3A_173 : vector<512x512xf32>
      %add3A_179 = arith.addf %mul3A_177, %mul3A_178 : vector<512x512xf32>
      %mul3A_180 = arith.mulf %sub3A_176, %sub3A_176 : vector<512x512xf32>
      %add3A_181 = arith.addf %add3A_179, %mul3A_180 : vector<512x512xf32>
      %sqrt3A_182 = math.sqrt %add3A_181 : vector<512x512xf32>
      %sub3A_183 = vector.broadcast %get3A_20 : vector<512x1xf32> to vector<512x512xf32>
      %sub3A_184 = vector.broadcast %get3A_167 : vector<1x512xf32> to vector<512x512xf32>
      %sub3A_185 = arith.subf %sub3A_183, %sub3A_184 : vector<512x512xf32>
      %abs3A_186 = math.absf %sub3A_185 : vector<512x512xf32>
      %le3A_187 = arith.cmpf ole, %sqrt3A_182, %abs3A_186 : vector<512x512xf32>
      %add3A_188 = vector.broadcast %get3A_20 : vector<512x1xf32> to vector<512x512xf32>
      %add3A_189 = vector.broadcast %get3A_167 : vector<1x512xf32> to vector<512x512xf32>
      %add3A_190 = arith.addf %add3A_188, %add3A_189 : vector<512x512xf32>
      %gt3A_191 = arith.cmpf ogt, %sqrt3A_182, %abs3A_186 : vector<512x512xf32>
      %lt3A_192 = arith.cmpf olt, %sqrt3A_182, %add3A_190 : vector<512x512xf32>
      %and3A_193 = arith.andi %gt3A_191, %lt3A_192 : vector<512x512xi1>
      %min3A_194 = vector.broadcast %get3A_20 : vector<512x1xf32> to vector<512x512xf32>
      %min3A_195 = vector.broadcast %get3A_167 : vector<1x512xf32> to vector<512x512xf32>
      %min3A_196 = arith.minimumf %min3A_194, %min3A_195 : vector<512x512xf32>
      %max3A_197 = vector.broadcast %get3A_20 : vector<512x1xf32> to vector<512x512xf32>
      %max3A_198 = vector.broadcast %get3A_167 : vector<1x512xf32> to vector<512x512xf32>
      %max3A_199 = arith.maximumf %max3A_197, %max3A_198 : vector<512x512xf32>
      %div3A_200 = arith.divf %min3A_196, %max3A_199 : vector<512x512xf32>
      %mul3A_201 = arith.mulf %div3A_200, %div3A_200 : vector<512x512xf32>
      %mul3A_202 = arith.mulf %mul3A_201, %div3A_200 : vector<512x512xf32>
      %sub3A_203 = arith.subf %add3A_190, %sqrt3A_182 : vector<512x512xf32>
      %mul3A_204 = arith.mulf %sub3A_203, %sub3A_203 : vector<512x512xf32>
      %mul3A_205 = arith.mulf %sqrt3A_182, %sqrt3A_182 : vector<512x512xf32>
      %mul3A_206 = arith.constant 2.000000e+00 : f32
      %mul3A_207 = vector.broadcast %mul3A_206 : f32 to vector<512x512xf32>
      %mul3A_208 = arith.mulf %mul3A_207, %sqrt3A_182 : vector<512x512xf32>
      %mul3A_209 = arith.mulf %mul3A_208, %add3A_190 : vector<512x512xf32>
      %add3A_210 = arith.addf %mul3A_205, %mul3A_209 : vector<512x512xf32>
      %mul3A_211 = arith.mulf %abs3A_186, %abs3A_186 : vector<512x512xf32>
      %mul3A_212 = arith.constant 3.000000e+00 : f32
      %mul3A_213 = vector.broadcast %mul3A_212 : f32 to vector<512x512xf32>
      %mul3A_214 = arith.mulf %mul3A_213, %mul3A_211 : vector<512x512xf32>
      %sub3A_215 = arith.subf %add3A_210, %mul3A_214 : vector<512x512xf32>
      %mul3A_216 = arith.mulf %mul3A_204, %sub3A_215 : vector<512x512xf32>
      %mul3A_217 = arith.constant 1.200000e+01 : f32
      %mul3A_218 = vector.broadcast %mul3A_217 : f32 to vector<512x512xf32>
      %mul3A_219 = arith.mulf %mul3A_218, %sqrt3A_182 : vector<512x512xf32>
      %div3A_220 = arith.constant 3.14159274 : f32
      %div3A_221 = vector.broadcast %div3A_220 : f32 to vector<512x512xf32>
      %div3A_222 = arith.divf %div3A_221, %mul3A_219 : vector<512x512xf32>
      %mul3A_223 = arith.mulf %mul3A_216, %div3A_222 : vector<512x512xf32>
      %mul3A_224 = arith.mulf %get3A_20, %get3A_20 : vector<512x1xf32>
      %mul3A_225 = arith.mulf %mul3A_224, %get3A_20 : vector<512x1xf32>
      %mul3A_226 = arith.mulf %get3A_167, %get3A_167 : vector<1x512xf32>
      %mul3A_227 = arith.mulf %mul3A_226, %get3A_167 : vector<1x512xf32>
      %add3A_228 = vector.broadcast %mul3A_225 : vector<512x1xf32> to vector<512x512xf32>
      %add3A_229 = vector.broadcast %mul3A_227 : vector<1x512xf32> to vector<512x512xf32>
      %add3A_230 = arith.addf %add3A_228, %add3A_229 : vector<512x512xf32>
      %mul3A_231 = arith.constant 4.18879032 : f32
      %mul3A_232 = vector.broadcast %mul3A_231 : f32 to vector<512x512xf32>
      %mul3A_233 = arith.mulf %mul3A_232, %add3A_230 : vector<512x512xf32>
      %sub3A_234 = arith.subf %mul3A_233, %mul3A_223 : vector<512x512xf32>
      %div3A_235 = arith.divf %mul3A_223, %sub3A_234 : vector<512x512xf32>
      %jit3A_236 = arith.constant 0.000000e+00 : f32
      %broadcast_in_dim3A_237 = vector.broadcast %jit3A_236 : f32 to vector<512x512xf32>
      %select_n3A_238 = arith.select %and3A_193, %div3A_235, %broadcast_in_dim3A_237 : vector<512x512xi1>, vector<512x512xf32>
      %select_n3A_239 = arith.select %le3A_187, %mul3A_202, %select_n3A_238 : vector<512x512xi1>, vector<512x512xf32>
      %gt3A_240 = arith.constant 3.000000e-01 : f32
      %gt3A_241 = vector.broadcast %gt3A_240 : f32 to vector<512x512xf32>
      %gt3A_242 = arith.cmpf ogt, %select_n3A_239, %gt3A_241 : vector<512x512xf32>
      %convert_element_type3A_243 = arith.extui %gt3A_242 : vector<512x512xi1> to vector<512x512xi32>
      %convert_element_type3A_244 = arith.sitofp %convert_element_type3A_243 : vector<512x512xi32> to vector<512x512xf32>
      %convert_element_type3A_245 = arith.truncf %convert_element_type3A_244 : vector<512x512xf32> to vector<512x512xbf16>
      scf.yield %convert_element_type3A_245 : vector<512x512xbf16>
    }
    %lt3A_135 = arith.constant 9 : i32
    %lt3A_136 = arith.cmpi slt, %arg0, %lt3A_135 : i32
    %convert_element_type3A_137 = arith.extui %lt3A_136 : i1 to i32
    %cond3A_138 = arith.constant 0 : i32
    %cond3A_139 = arith.cmpi ne, %convert_element_type3A_137, %cond3A_138 : i32
    scf.if %cond3A_139 {
      %dot_general3A = arith.constant dense<0.000000e+00> : vector<1x512xf32>
      %dot_general3A_140 = tpu.matmul %convert_element_type3A_119, %while3A_134, %dot_general3A {dimension_numbers = #tpu.dot_dimension_numbers<[1], [0], [0], [1], [0, 0, 1, 1], [], []>, transpose_lhs_hint = false} : vector<1x512xbf16>, vector<512x512xbf16>, vector<1x512xf32> -> vector<1x512xf32>
      %gt3A_141 = arith.constant 5.000000e-01 : f32
      %gt3A_142 = vector.broadcast %gt3A_141 : f32 to vector<1x512xf32>
      %gt3A_143 = arith.cmpf ogt, %dot_general3A_140, %gt3A_142 : vector<1x512xf32>
      %get3A_144 = arith.constant 9 : index
      %get3A_145 = arith.constant 0 : index
      %get3A_146 = arith.constant 0 : index
      %get3A_147 = vector.load %arg10[%get3A_144, %get3A_145, %get3A_146] : memref<10x1x512xf32, #tpu.memory_space<vmem>>, vector<1x1x512xf32>
      %get3A_148 = vector.shape_cast %get3A_147 : vector<1x1x512xf32> to vector<1x512xf32>
      %jit3A_149 = arith.constant 1.000000e+00 : f32
      %broadcast_in_dim3A_150 = vector.broadcast %jit3A_149 : f32 to vector<1x512xf32>
      %select_n3A_151 = arith.select %gt3A_143, %broadcast_in_dim3A_150, %get3A_148 : vector<1x512xi1>, vector<1x512xf32>
      %swap3A_152 = arith.constant 9 : index
      %swap3A_153 = arith.constant 0 : index
      %swap3A_154 = arith.constant 0 : index
      %swap3A_155 = vector.load %arg10[%swap3A_152, %swap3A_153, %swap3A_154] : memref<10x1x512xf32, #tpu.memory_space<vmem>>, vector<1x1x512xf32>
      %swap3A_156 = vector.shape_cast %swap3A_155 : vector<1x1x512xf32> to vector<1x512xf32>
      %swap3A_157 = vector.shape_cast %select_n3A_151 : vector<1x512xf32> to vector<1x1x512xf32>
      tpu.vector_store %arg10[%swap3A_152, %swap3A_153, %swap3A_154], %swap3A_157 {strides = array<i32>} : memref<10x1x512xf32, #tpu.memory_space<vmem>>, vector<1x1x512xf32>,
    } else {
    }
    return
  }
  func.func @transform_0(%arg0: i32) -> (i32, i32, i32) {
    %c0_i32 = arith.constant 0 : i32
    %c0_i32_0 = arith.constant 0 : i32
    %c0_i32_1 = arith.constant 0 : i32
    %c0_i32_2 = arith.constant 0 : i32
    return %c0_i32, %c0_i32_0, %c0_i32_1 : i32, i32, i32
  }
  func.func @transform_1(%arg0: i32) -> (i32, i32, i32) {
    %c0_i32 = arith.constant 0 : i32
    %c0_i32_0 = arith.constant 0 : i32
    %c0_i32_1 = arith.constant 0 : i32
    %c0_i32_2 = arith.constant 0 : i32
    return %c0_i32, %c0_i32_0, %c0_i32_1 : i32, i32, i32
  }
  func.func @transform_2(%arg0: i32) -> (i32, i32, i32) {
    %c0_i32 = arith.constant 0 : i32
    %c0_i32_0 = arith.constant 0 : i32
    %c0_i32_1 = arith.constant 0 : i32
    %c0_i32_2 = arith.constant 0 : i32
    return %c0_i32, %c0_i32_0, %c0_i32_1 : i32, i32, i32
  }
  func.func @transform_3(%arg0: i32) -> (i32, i32, i32) {
    %c0_i32 = arith.constant 0 : i32
    %c0_i32_0 = arith.constant 0 : i32
    %c0_i32_1 = arith.constant 0 : i32
    %c0_i32_2 = arith.constant 0 : i32
    return %c0_i32, %c0_i32_0, %c0_i32_1 : i32, i32, i32
  }
  func.func @transform_4(%arg0: i32) -> (i32, i32, i32) {
    %c0_i32 = arith.constant 0 : i32
    %c0_i32_0 = arith.constant 0 : i32
    %c0_i32_1 = arith.constant 0 : i32
    %c0_i32_2 = arith.constant 0 : i32
    return %c0_i32, %c0_i32_0, %c0_i32_1 : i32, i32, i32
  }
  func.func @transform_5(%arg0: i32) -> (i32, i32, i32) {
    %c0_i32 = arith.constant 0 : i32
    %c0_i32_0 = arith.constant 0 : i32
    %c0_i32_1 = arith.constant 0 : i32
    %c0_i32_2 = arith.constant 0 : i32
    return %c0_i32, %c0_i32_0, %c0_i32_1 : i32, i32, i32
  }
  func.func @transform_6(%arg0: i32) -> (i32, i32, i32) {
    %c0_i32 = arith.constant 0 : i32
    %c0_i32_0 = arith.constant 0 : i32
    %c0_i32_1 = arith.constant 0 : i32
    %c0_i32_2 = arith.constant 0 : i32
    return %c0_i32, %c0_i32_0, %c0_i32_1 : i32, i32, i32
  }
  func.func @transform_7(%arg0: i32) -> (i32, i32, i32) {
    %c0_i32 = arith.constant 0 : i32
    %c0_i32_0 = arith.constant 0 : i32
    %c0_i32_1 = arith.constant 0 : i32
    %c0_i32_2 = arith.constant 0 : i32
    return %c0_i32, %c0_i32_0, %c0_i32_1 : i32, i32, i32
  }
  func.func @transform_8(%arg0: i32) -> (i32, i32, i32) {
    %c0_i32 = arith.constant 0 : i32
    %c0_i32_0 = arith.constant 0 : i32
    %c0_i32_1 = arith.constant 0 : i32
    return %arg0, %c0_i32, %c0_i32_0 : i32, i32, i32
  }
}

</mosaic_0001>

<sc_bundles>
// kernel: kernel.5.cloned.1.call-start
scs
__scs_entry_jumppad:
0x0: {  	(pc) =	sbr.rel $0x88, $3  }
0x1: {  	(tag) =	ssettag $0x0;
	lr =	simm.s32 $0x1  }
0x2: {  	[smem:$0x3F9F] =	sst lr;
	_ =	strace $0xD0000000  }
0x3: {  	_ = 	snop  }
0x4: {  	_ = 	snop  }
0x5: {  	_ = 	snop  }
0x6: {  	_ = 	snop  }
0x7: {  	_ = 	snop  }
__scs_overlays_trampoline_lowered:
0x8: {  	[smem:$0x3FAE] =	sst s0  }
0x9: {  	[smem:$0x3FAF] =	sst s1  }
0xa: {  	[smem:$0x3FB0] =	sst s2  }
0xb: {  	[smem:$0x3FB1] =	sst s3  }
0xc: {  	[smem:$0x3FB2] =	sst s4  }
0xd: {  	[smem:$0x3FB3] =	sst s5  }
0xe: {  	[smem:$0x3FB4] =	sst s6  }
0xf: {  	[smem:$0x3FB5] =	sst s7  }
0x10: {  	[smem:$0x3FB6] =	sst s8  }
0x11: {  	[smem:$0x3FB7] =	sst s9;
	s0 =	simm.s32 @!p0 $0x0  }
0x12: {  	s1 =	sld [smem:$0x3F9D];
	s0 =	simm.s32 @p0 $0x1  }
0x13: {  	[smem:$0x3FB8] =	sst s0;
	s0 =	simm.s32 @!p1 $0x0  }
0x14: {  	s2 =	sld [smem:$0x3F9C];
	s0 =	simm.s32 @p1 $0x1  }
0x15: {  	[smem:$0x3FB9] =	sst s0;
	s0 =	simm.s32 @!p2 $0x0  }
0x16: {  	s3 =	sld [smem:$0x3FDB];
	s0 =	simm.s32 @p2 $0x1  }
0x17: {  	s4 =	simm.s32 $0x1BF5;
	[smem:$0x3FBB] =	sst s0  }
0x18: {  	s0 =	sld [smem:$0x3F9E];
	_ =	swait.ge [sflag:s4], $0x0  }
0x19: {  	s7 =	sld [smem:$0x3F9F]  }
0x1a: {  	s8 =	sadd.s32 $0xFFFFE003, lr  }
0x1b: {  	s9 =	sadd.s32 $0xFFFFFEF7, lr;
	s5 =	simm.s32 $0xFFFFFFFF;
	p2 =	slt.u32 s8, $0xFFFFF086  }
0x1c: {  	p1 =	slt.u32 s9, $0xF7A;
	s5 =	simm.s32 @!p2 $0x0  }
0x1d: {  	s5 =	simm.s32 @p1 $0x1;
	p0 =	seq.s32 s7, s2  }
0x1e: {  	s7 =	smul.u32 @!p0 $0xF7A, s2;
	p2 =	seq.s32 @!p0 s5, $0x0  }
0x1f: {  	s9 =	smul.u32 $0xF7A, s1;
	s8 =	simm.s32 @!p0 $0x1BF5;
	p2 =	por !p2, p0  }
0x20: {  	[sflag:s8] =	ssyncset.s32 @!p0 $0xFFFFF086;
	s6 =	sadd.s32 @!p0 s3, s7;
	s7 =	simm.s32 @!p0 $0x108  }
0x21: {  	s3 =	sadd.s32 s3, s9;
	s6 =	sadd.s32 @!p0 $0x88, s6;
	s7 =	simm.s32 @p2 $0x1082  }
0x22: {  	[simem:s7], [sflag:s8] =	dma.local @!p0 [hbm:s6], $0xF7A  }
0x23: {  	s9 =	sor.u32 $0xD0000000, s2;
	s6 =	simm.s32 $0x108;
	_ =	swait.ge @!p0 [sflag:s8], $0x0  }
0x24: {  	s3 =	sadd.s32 $0x88, s3;
	s6 =	simm.s32 @!p1 $0x1082;
	[sflag:s4] =	ssyncset.s32 $0xFFFFF086  }
0x25: {  	[simem:s6], [sflag:s4] =	dma.local [hbm:s3], $0xF7A  }
0x26: {  	[smem:$0x3F9F] =	sst s1;
	(tag) =	ssettag s2;
	_ =	strace s9  }
0x27: {  	s1 =	sld [smem:$0x3FAF]  }
0x28: {  	s2 =	sld [smem:$0x3FB0]  }
0x29: {  	s4 =	sld [smem:$0x3FB2]  }
0x2a: {  	p0 =	seq.s32 s5, $0x0;
	s5 =	sld [smem:$0x3FB3]  }
0x2b: {  	s6 =	sld [smem:$0x3FB4]  }
0x2c: {  	s7 =	sld [smem:$0x3FB5]  }
0x2d: {  	s3 =	simm.s32 $0x108;
	s8 =	sld [smem:$0x3FB6]  }
0x2e: {  	s3 =	simm.s32 @!p0 $0x1082;
	s9 =	sld [smem:$0x3FB7]  }
0x2f: {  	lr =	sadd.s32 s0, s3;
	s0 =	sld [smem:$0x3FAE]  }
0x30: {  	s3 =	sld [smem:$0x3FB1]  }
0x31: {  	[smem:$0x3FBA] =	sst s10  }
0x32: {  	s10 =	sld [smem:$0x3FB8];
	_ =	sdelay $0x3  }
0x33: {  	p0 =	seq.s32 s10, $0x1;
	s10 =	sld [smem:$0x3FBA];
	_ =	sdelay $0x3  }
0x34: {  	[smem:$0x3FBA] =	sst s10  }
0x35: {  	s10 =	sld [smem:$0x3FB9];
	_ =	sdelay $0x3  }
0x36: {  	p1 =	seq.s32 s10, $0x1;
	s10 =	sld [smem:$0x3FBA];
	_ =	sdelay $0x3  }
0x37: {  	[smem:$0x3FBA] =	sst s10  }
0x38: {  	s10 =	sld [smem:$0x3FBB]  }
0x39: {  	_ = 	snop;
	(pc) =	sbr.ind lr, $3  }
0x3a: {  	_ = 	snop  }
0x3b: {  	_ = 	snop  }
0x3c: {  	p2 =	seq.s32 s10, $0x1;
	s10 =	sld [smem:$0x3FBA]  }
0x3d: {  	_ =	shalt  }
0x3e: {  	_ =	shalt  }
0x3f: {  	_ =	shalt  }
0x40: {  	_ =	shalt  }
0x41: {  	_ =	shalt  }
0x42: {  	_ =	shalt  }
0x43: {  	_ =	shalt  }
0x44: {  	_ =	shalt  }
0x45: {  	_ =	shalt  }
0x46: {  	_ =	shalt  }
0x47: {  	_ =	shalt  }
0x48: {  	_ =	shalt  }
0x49: {  	_ =	shalt  }
0x4a: {  	_ =	shalt  }
0x4b: {  	_ =	shalt  }
0x4c: {  	_ =	shalt  }
0x4d: {  	_ =	shalt  }
0x4e: {  	_ =	shalt  }
0x4f: {  	_ =	shalt  }
0x50: {  	_ =	shalt  }
0x51: {  	_ =	shalt  }
0x52: {  	_ =	shalt  }
0x53: {  	_ =	shalt  }
0x54: {  	_ =	shalt  }
0x55: {  	_ =	shalt  }
0x56: {  	_ =	shalt  }
0x57: {  	_ =	shalt  }
0x58: {  	_ =	shalt  }
0x59: {  	_ =	shalt  }
0x5a: {  	_ =	shalt  }
0x5b: {  	_ =	shalt  }
0x5c: {  	_ =	shalt  }
0x5d: {  	_ =	shalt  }
0x5e: {  	_ =	shalt  }
0x5f: {  	_ =	shalt  }
0x60: {  	_ =	shalt  }
0x61: {  	_ =	shalt  }
0x62: {  	_ =	shalt  }
0x63: {  	_ =	shalt  }
0x64: {  	_ =	shalt  }
0x65: {  	_ =	shalt  }
0x66: {  	_ =	shalt  }
0x67: {  	_ =	shalt  }
0x68: {  	_ =	shalt  }
0x69: {  	_ =	shalt  }
0x6a: {  	_ =	shalt  }
0x6b: {  	_ =	shalt  }
0x6c: {  	_ =	shalt  }
0x6d: {  	_ =	shalt  }
0x6e: {  	_ =	shalt  }
0x6f: {  	_ =	shalt  }
0x70: {  	_ =	shalt  }
0x71: {  	_ =	shalt  }
0x72: {  	_ =	shalt  }
0x73: {  	_ =	shalt  }
0x74: {  	_ =	shalt  }
0x75: {  	_ =	shalt  }
0x76: {  	_ =	shalt  }
0x77: {  	_ =	shalt  }
0x78: {  	_ =	shalt  }
0x79: {  	_ =	shalt  }
0x7a: {  	_ =	shalt  }
0x7b: {  	_ =	shalt  }
0x7c: {  	_ =	shalt  }
0x7d: {  	_ =	shalt  }
0x7e: {  	_ =	shalt  }
0x7f: {  	_ =	shalt  }
0x80: {  	_ =	shalt  }
0x81: {  	_ =	shalt  }
0x82: {  	_ =	shalt  }
0x83: {  	_ =	shalt  }
0x84: {  	_ =	shalt  }
0x85: {  	_ =	shalt  }
0x86: {  	_ =	shalt  }
0x87: {  	_ =	shalt  }
.Lfunc_end0:
.L_simem_size_0:
called_computation_lowered:
.L_overlay_start_0:
0x88: {  	s2 =	sld [smem:$0x3FD9]  }
0x89: {  	s3 =	sld [smem:$0x3FFE];
	_ =	sdelay $0x1  }
0x8a: {  	s1 =	srdreg.scid  }
0x8b: {  	s0 =	sand.u32 $0x1, s1  }
0x8c: {  	s14 =	sshll.u32 s0, $0xA;
	s2 =	sadd.s32 s3, s2  }
0x8d: {  	s2 =	sadd.s32 s2, s14  }
0x8e: {  	[smem:$0x3FC6] =	sst s2  }
0x8f: {  	_ = 	snop  }
0x90: {  	s2 =	sld [smem:$0x3FD0];
	_ =	sdelay $0x2  }
0x91: {  	s15 =	simm.s32 $0xA;
	s4 =	simm.s32 $0x10  }
0x92: {  	[smem:s4], [sflag:s15] =	dma.local [hbm:s2], $0x1  }
0x93: {  	_ =	swait.eq [sflag:s15], $0x1  }
0x94: {  	[sflag:s15] =	ssyncset.done $0x0  }
0x95: {  	[sflag:s15] =	ssyncadd.s32 $0xFFFFFFFF  }
0x96: {  	s16 =	sld [smem:$0x11];
	(tm) =	ssettm $0x1  }
0x97: {  	s17 =	sld [smem:$0x3FFB];
	_ =	sdelay $0x3  }
0x98: {  	_ =	strace s17  }
0x99: {  	s3 =	sld [smem:$0x3FFC];
	_ =	sdelay $0x3  }
0x9a: {  	_ =	strace s3  }
0x9b: {  	s3 =	sld [smem:$0x3FFD];
	_ =	sdelay $0x3  }
0x9c: {  	_ =	strace s3  }
0x9d: {  	_ =	strace $0x8FFFFFFF  }
0x9e: {  	s18 =	sld [smem:$0x3FDB];
	_ =	sdelay $0x1  }
0x9f: {  	s19 =	simm.s32 $_scs_section_size  }
0xa0: {  	s5 =	simm.s32 $_size__tile_overlayer_lowered;
	s6 =	simm.s32 $_tile_overlayer_lowered  }
0xa1: {  	s22 =	simm.s32 $0x1BFF;
	s21 =	sshll.u32 s6, $0x1;
	s3 =	sadd.s32 s19, s18  }
0xa2: {  	s7 =	simm.s32 $0x0;
	s20 =	sshll.u32 s5, $0x1;
	s5 =	sadd.s32 s21, s3  }
0xa3: {  	[timem:s7], [sflag:s22] =	dma.local [hbm:s5], s20  }
0xa4: {  	_ =	swait.ge [sflag:s22], s20  }
0xa5: {  	s4 =	ssub.s32 $0x0, s20;
	[sflag:s22] =	ssyncset.done $0x0  }
0xa6: {  	[sflag:s22] =	ssyncadd.s32 s4;
	_ =	sdelay $0x1  }
0xa7: {  	s23 =	simm.s32 $0x1B8B  }
0xa8: {  	_ =	swait.ge [sflag:s23], $0x1  }
0xa9: {  	[sflag:s23] =	ssyncset.done $0x0  }
0xaa: {  	s25 =	simm.s32 $0x1B8E;
	s24 =	sld [smem:$0x3FFE];
	[sflag:s23] =	ssyncadd.s32 $0xFFFFFFFF  }
0xab: {  	s26 =	simm.s32 $execute0_lowered;
	[smem:$0x3FD2] =	sst s25  }
0xac: {  	s5 =	sshll.u32 s26, $0x1;
	_ =	strace $0x80000046;
	[dreg:$0x1] =	wrdreg $0xFFFFFFFF  }
0xad: {  	s28 =	simm.s32 $_size_execute0_lowered;
	s3 =	sadd.s32 s3, s5;
	[dreg:$0x0] =	wrdreg $0x0  }
0xae: {  	s5 =	sshll.u32 s28, $0x1;
	[dreg:$0x2] =	wrdreg s3  }
0xaf: {  	[dreg:$0x3] =	wrdreg s5  }
0xb0: {  	[dreg:$0x4] =	wrdreg $0xC0  }
0xb1: {  	_ =	task [dreg:s7], $0x5FFFF  }
0xb2: {  	[dreg:$0x1] =	wrdreg $0xFFFFFFFF  }
0xb3: {  	[dreg:$0x0] =	wrdreg $0x60  }
0xb4: {  	[dreg:$0x2] =	wrdreg s24  }
0xb5: {  	[dreg:$0x3] =	wrdreg s16  }
0xb6: {  	[dreg:$0x4] =	wrdreg $0x9  }
0xb7: {  	_ =	task.clear_ibuf [dreg:s7], $0x5FFFF;
	_ =	strace $0x90000046  }
0xb8: {  	s29 =	simm.s32 $0x9;
	_ =	strace $0x80000048  }
0xb9: {  	_ =	swait.ge [sflag:s29], $0x1  }
0xba: {  	[sflag:s29] =	ssyncadd.s32 $0xFFFFFFFF  }
0xbb: {  	_ =	strace $0x90000048  }
0xbc: {  	_ =	sfence  }
0xbd: {  	s30 =	sld [smem:$0x0];
	_ =	sdelay $0x2  }
0xbe: {  	s31 =	sshll.u32 s1, $0xD;
	s1 =	sshrl.u32 s1, $0x2  }
0xbf: {  	s3 =	sand.u32 $0x4000, s31;
	s1 =	sadd.s32 s1, s30  }
0xc0: {  	s0 =	sor.u32 s3, s0;
	s1 =	sshll.u32 s1, $0x11  }
0xc1: {  	s0 =	sor.u32 s1, s0  }
0xc2: {  	s0 =	sadd.s32 $0x8F2B, s0  }
0xc3: {  	[sflag:s0] =	ssyncadd.remote.s32 $0x1  }
0xc4: {  	_ =	sfence.sel $0xFFFF  }
0xc5: {  	[dreg:$0x0] =	wrdreg $0xFFFFFFFF;
	(pc) =	sbr.abs _section_cstart, $3  }
0xc6: {  	[dreg:$0x1] =	wrdreg $0xFFFFFFFF  }
0xc7: {  	_ =	task.clear_ibuf [dreg:s7], $0x2FFFF;
	_ =	strace $0x9FFFFFFF  }
0xc8: {  	(tm) =	ssettm $0x7FFFFFFF  }
0xc9: {  	_ =	shalt  }
tec
execute0_lowered:
.L_overlay_start_1:
0x0: {  	(tag) =	ssettag $0x1  }
0x1: {  	s0 =	srdreg.scid  }
0x2: {  	s4 =	sand.u32 $0x1, s0  }
0x3: {  	s1 =	stileid.u32;
	s5 =	sshll.u32 s4, $0x4  }
0x4: {  	s8 =	sor.u32 s1, s5  }
0x5: {  	p0 =	sgt.u32 s8, $0x13  }
.Ltmp0:
0x6: {  	_ = 	snop;
	(pc) =	sbr.rel @p0 .LBB2_5-.Ltmp0, $4  }
0x7: {  	s2 =	rddreg [dreg:$0x0]  }
0x8: {  	s7 =	rddreg [dreg:$0x1];
	s3 =	simm.s32 $0x0  }
0x9: {  	[smem:$0x7FF] =	sst s3  }
0xa: {  	s0 =	rddreg [dreg:$0x2];
	_ =	strace $0x80000047  }
0xb: {  	s5 =	sshll.u32 s8, $0x7;
	s10 =	ssub.s32 $0x2, s4;
	s4 =	sadd.s32 $0x10, s2  }
0xc: {  	s6 =	sadd.s32 $0x30, s2;
	s31 =	sshll.u32 s8, $0x5;
	s12 =	simm.s32 $0x1  }
0xd: {  	s13 =	simm.s32 $0x1400;
	s14 =	simm.s32 $0x2800;
	s15 =	simm.s32 $0x3C00  }
0xe: {  	s16 =	simm.s32 $0x5000;
	s17 =	simm.s32 $0x5100;
	s18 =	simm.s32 $0x0  }
0xf: {  	s9 =	sadd.s32 s5, s2;
	s5 =	sadd.s32 $0x20, s2;
	s11 =	sshrl.u32 s10, $0x1  }
0x10: {  	s7 =	sadd.s32 s7, s31;
	s10 =	ssub.s32 s10, s11;
	s8 =	sadd.s32 $0xA00, s9  }
0x11: {  	s11 =	simm.s32 $0x200;
	s9 =	smax.u32 s10, $0x1;
	s10 =	simm.s32 $0x80  }
.LBB2_2:
0x12: {  	s19 =	simm.s32 $0x0  }
0x13: {  	[tilespmem:s19], [sflag:$0x1] =	stream.strided.gather [hbm4b:s2+s10], $0x1400, s11, s10, $0x38;
	[tilespmem:$0x5500] =	vst v63  }
0x14: {  	_ =	swait.ge [sflag:s12], $0x1400  }
0x15: {  	[sflag:s12] =	ssyncset.done $0x0  }
0x16: {  	[sflag:s12] =	ssyncadd.s32 $0xFFFFEC00  }
0x17: {  	[tilespmem:s13], [sflag:$0x1] =	stream.strided.gather [hbm4b:s4+s10], $0x1400, s11, s10, $0x38;
	[tilespmem:$0x5500] =	vst v63  }
0x18: {  	_ =	swait.ge [sflag:s12], $0x1400  }
0x19: {  	[sflag:s12] =	ssyncset.done $0x0  }
0x1a: {  	[sflag:s12] =	ssyncadd.s32 $0xFFFFEC00  }
0x1b: {  	[tilespmem:s14], [sflag:$0x1] =	stream.strided.gather [hbm4b:s5+s10], $0x1400, s11, s10, $0x38;
	[tilespmem:$0x5500] =	vst v63  }
0x1c: {  	_ =	swait.ge [sflag:s12], $0x1400  }
0x1d: {  	[sflag:s12] =	ssyncset.done $0x0  }
0x1e: {  	[sflag:s12] =	ssyncadd.s32 $0xFFFFEC00  }
0x1f: {  	[tilespmem:s15], [sflag:$0x1] =	stream.strided.gather [hbm4b:s6+s10], $0x1400, s11, s10, $0x38;
	[tilespmem:$0x5500] =	vst v63  }
0x20: {  	_ =	swait.ge [sflag:s12], $0x1400  }
0x21: {  	[sflag:s12] =	ssyncset.done $0x0  }
0x22: {  	[sflag:s12] =	ssyncadd.s32 $0xFFFFEC00  }
0x23: {  	[tilespmem:s16], [sflag:$0x1] =	stream.linear.gather [hbm4b:s7+s19], $0x100, $0x38;
	[tilespmem:$0x5500] =	vst v63  }
0x24: {  	_ =	swait.ge [sflag:s12], $0x100  }
0x25: {  	s22 =	simm.s32 $0x0;
	[sflag:s12] =	ssyncset.done $0x0  }
0x26: {  	s21 =	simm.s32 $0x10;
	s20 =	simm.s32 $0x0;
	[sflag:s12] =	ssyncadd.s32 $0xFFFFFF00  }
.LBB2_3:
0x27: {  	p0 =	sne.s32 s21, $0xF0;
	v0 =	vld [tilespmem:s22+$0x5000];
	_ =	sdelay $0x7  }
0x28: {  	v1 =	vld.idx.msk [tilespmem:v0+s3+$0x0], $0xffff;
	_ =	sdelay $0x3  }
0x29: {  	s22 =	sand.u32 $0x70, s19;
	s23 =	sand.u32 $0x200, s20;
	s19 =	smov.u32 s21  }
0x2a: {  	s23 =	sor.u32 s22, s23  }
0x2b: {  	[tilespmem:s23+$0x5100] =	vst v1  }
0x2c: {  	v1 =	vld.idx.msk [tilespmem:v0+s13+$0x0], $0xffff;
	_ =	sdelay $0x5  }
0x2d: {  	[tilespmem:s23+$0x5180] =	vst v1  }
0x2e: {  	v1 =	vld.idx.msk [tilespmem:v0+s14+$0x0], $0xffff;
	_ =	sdelay $0x5  }
0x2f: {  	[tilespmem:s23+$0x5200] =	vst v1  }
0x30: {  	v0 =	vld.idx.msk [tilespmem:v0+s15+$0x0], $0xffff;
	_ =	sdelay $0x1  }
.Ltmp1:
0x31: {  	(pc) =	sbr.rel @p0 .LBB2_3-.Ltmp1, $3  }
0x32: {  	_ =	sdelay $0x1  }
0x33: {  	s20 =	sadd.s32 $0x40, s20  }
0x34: {  	s21 =	sadd.s32 $0x10, s21;
	s22 =	sshra.s32 s20, $0x2;
	[tilespmem:s23+$0x5280] =	vst v0  }
0x35: {  	v0 =	vld [tilespmem:s22+$0x5000];
	_ =	sdelay $0x7  }
0x36: {  	v1 =	vld.idx.msk [tilespmem:v0+s3+$0x0], $0xffff;
	_ =	sdelay $0x2  }
0x37: {  	s19 =	sand.u32 $0x70, s19;
	s20 =	sand.u32 $0x200, s20  }
0x38: {  	s19 =	sor.u32 s19, s20  }
0x39: {  	[tilespmem:s19+$0x5100] =	vst v1  }
0x3a: {  	v1 =	vld.idx.msk [tilespmem:v0+s13+$0x0], $0xffff;
	_ =	sdelay $0x4  }
0x3b: {  	[tilespmem:s19+$0x5180] =	vst v1  }
0x3c: {  	v1 =	vld.idx.msk [tilespmem:v0+s14+$0x0], $0xffff;
	_ =	sdelay $0x4  }
0x3d: {  	[tilespmem:s19+$0x5200] =	vst v1  }
0x3e: {  	v0 =	vld.idx.msk [tilespmem:v0+s15+$0x0], $0xffff;
	_ =	sdelay $0x2  }
0x3f: {  	s18 =	sadd.s32 $0x1, s18  }
0x40: {  	p0 =	sne.s32 s18, s9  }
.Ltmp2:
0x41: {  	[tilespmem:s19+$0x5280] =	vst v0;
	(pc) =	sbr.rel @p0 .LBB2_2-.Ltmp2, $4  }
0x42: {  	[hbm4b:s8+s3] =	stream.linear.scatter [tilespmem:s17], [sflag:$0x1], $0x400, $0x38;
	[tilespmem:$0x5500] =	vst v63  }
0x43: {  	_ =	swait.ge [sflag:s12], $0x400  }
0x44: {  	[sflag:s12] =	ssyncset.done $0x0  }
0x45: {  	[sflag:s12] =	ssyncadd.s32 $0xFFFFFC00  }
.LBB2_5:
0x46: {  	_ =	sfence.sel $0x180000  }
0x47: {  	[bflag:$0x0] =	sbarrier.arrive $0xFFFF  }
0x48: {  	p0 =	sne.s32 s1, $0x0;
	_ =	strace $0x90000047  }
0x49: {  	s0 =	sadd.s32 @!p0 $0x100000, s0;
	[bflag:$0x2] =	sbarrier.arrive $0xFFFF  }
0x4a: {  	[sflag:s0] =	ssyncadd.tile.s32 @!p0 $0x1;
	_ =	shalt  }
.Lfunc_end2:
_tile_overlayer_lowered:
.L_overlay_start_2:
0x4b: {  	(tag) =	ssettag $0x2  }
0x4c: {  	s0 =	rddreg [dreg:$0x0];
	s2 =	stileid.u32  }
0x4d: {  	s1 =	rddreg [dreg:$0x1];
	p0 =	sne.s32 s2, $0x0  }
0x4e: {  	s3 =	rddreg [dreg:$0x2];
	[bflag:$0x3] =	sbarrier.arrive $0xFFFF;
	s2 =	simm.s32 @!p0 $0x1C02  }
0x4f: {  	[timem:s3], [sflag:s2] =	dma.local @!p0 [hbm:s0], s1  }
0x50: {  	s0 =	simm.s32 @!p0 $0x2  }
0x51: {  	_ =	swait.ge @!p0 [sflag:s0], s1  }
0x52: {  	s1 =	ssub.s32 @!p0 $0x0, s1;
	[sflag:s0] =	ssyncset.done @!p0 $0x0  }
0x53: {  	[sflag:s0] =	ssyncadd.s32 @!p0 s1  }
0x54: {  	[bflag:$0x3] =	sbarrier.arrive $0xFFFF  }
0x55: {  	_ =	shalt  }

// kernel: kernel.8.cloned.1.call-start
scs
__scs_entry_jumppad:
0x0: {  	(pc) =	sbr.rel $0x88, $3  }
0x1: {  	(tag) =	ssettag $0x0;
	lr =	simm.s32 $0x1  }
0x2: {  	[smem:$0x3F9F] =	sst lr;
	_ =	strace $0xD0000000  }
0x3: {  	_ = 	snop  }
0x4: {  	_ = 	snop  }
0x5: {  	_ = 	snop  }
0x6: {  	_ = 	snop  }
0x7: {  	_ = 	snop  }
__scs_overlays_trampoline_lowered:
0x8: {  	[smem:$0x3FAE] =	sst s0  }
0x9: {  	[smem:$0x3FAF] =	sst s1  }
0xa: {  	[smem:$0x3FB0] =	sst s2  }
0xb: {  	[smem:$0x3FB1] =	sst s3  }
0xc: {  	[smem:$0x3FB2] =	sst s4  }
0xd: {  	[smem:$0x3FB3] =	sst s5  }
0xe: {  	[smem:$0x3FB4] =	sst s6  }
0xf: {  	[smem:$0x3FB5] =	sst s7  }
0x10: {  	[smem:$0x3FB6] =	sst s8  }
0x11: {  	[smem:$0x3FB7] =	sst s9;
	s0 =	simm.s32 @!p0 $0x0  }
0x12: {  	s1 =	sld [smem:$0x3F9D];
	s0 =	simm.s32 @p0 $0x1  }
0x13: {  	[smem:$0x3FB8] =	sst s0;
	s0 =	simm.s32 @!p1 $0x0  }
0x14: {  	s2 =	sld [smem:$0x3F9C];
	s0 =	simm.s32 @p1 $0x1  }
0x15: {  	[smem:$0x3FB9] =	sst s0;
	s0 =	simm.s32 @!p2 $0x0  }
0x16: {  	s3 =	sld [smem:$0x3FDB];
	s0 =	simm.s32 @p2 $0x1  }
0x17: {  	s4 =	simm.s32 $0x1BF5;
	[smem:$0x3FBB] =	sst s0  }
0x18: {  	s0 =	sld [smem:$0x3F9E];
	_ =	swait.ge [sflag:s4], $0x0  }
0x19: {  	s7 =	sld [smem:$0x3F9F]  }
0x1a: {  	s8 =	sadd.s32 $0xFFFFE003, lr  }
0x1b: {  	s9 =	sadd.s32 $0xFFFFFEF7, lr;
	s5 =	simm.s32 $0xFFFFFFFF;
	p2 =	slt.u32 s8, $0xFFFFF086  }
0x1c: {  	p1 =	slt.u32 s9, $0xF7A;
	s5 =	simm.s32 @!p2 $0x0  }
0x1d: {  	s5 =	simm.s32 @p1 $0x1;
	p0 =	seq.s32 s7, s2  }
0x1e: {  	s7 =	smul.u32 @!p0 $0xF7A, s2;
	p2 =	seq.s32 @!p0 s5, $0x0  }
0x1f: {  	s9 =	smul.u32 $0xF7A, s1;
	s8 =	simm.s32 @!p0 $0x1BF5;
	p2 =	por !p2, p0  }
0x20: {  	[sflag:s8] =	ssyncset.s32 @!p0 $0xFFFFF086;
	s6 =	sadd.s32 @!p0 s3, s7;
	s7 =	simm.s32 @!p0 $0x108  }
0x21: {  	s3 =	sadd.s32 s3, s9;
	s6 =	sadd.s32 @!p0 $0x88, s6;
	s7 =	simm.s32 @p2 $0x1082  }
0x22: {  	[simem:s7], [sflag:s8] =	dma.local @!p0 [hbm:s6], $0xF7A  }
0x23: {  	s9 =	sor.u32 $0xD0000000, s2;
	s6 =	simm.s32 $0x108;
	_ =	swait.ge @!p0 [sflag:s8], $0x0  }
0x24: {  	s3 =	sadd.s32 $0x88, s3;
	s6 =	simm.s32 @!p1 $0x1082;
	[sflag:s4] =	ssyncset.s32 $0xFFFFF086  }
0x25: {  	[simem:s6], [sflag:s4] =	dma.local [hbm:s3], $0xF7A  }
0x26: {  	[smem:$0x3F9F] =	sst s1;
	(tag) =	ssettag s2;
	_ =	strace s9  }
0x27: {  	s1 =	sld [smem:$0x3FAF]  }
0x28: {  	s2 =	sld [smem:$0x3FB0]  }
0x29: {  	s4 =	sld [smem:$0x3FB2]  }
0x2a: {  	p0 =	seq.s32 s5, $0x0;
	s5 =	sld [smem:$0x3FB3]  }
0x2b: {  	s6 =	sld [smem:$0x3FB4]  }
0x2c: {  	s7 =	sld [smem:$0x3FB5]  }
0x2d: {  	s3 =	simm.s32 $0x108;
	s8 =	sld [smem:$0x3FB6]  }
0x2e: {  	s3 =	simm.s32 @!p0 $0x1082;
	s9 =	sld [smem:$0x3FB7]  }
0x2f: {  	lr =	sadd.s32 s0, s3;
	s0 =	sld [smem:$0x3FAE]  }
0x30: {  	s3 =	sld [smem:$0x3FB1]  }
0x31: {  	[smem:$0x3FBA] =	sst s10  }
0x32: {  	s10 =	sld [smem:$0x3FB8];
	_ =	sdelay $0x3  }
0x33: {  	p0 =	seq.s32 s10, $0x1;
	s10 =	sld [smem:$0x3FBA];
	_ =	sdelay $0x3  }
0x34: {  	[smem:$0x3FBA] =	sst s10  }
0x35: {  	s10 =	sld [smem:$0x3FB9];
	_ =	sdelay $0x3  }
0x36: {  	p1 =	seq.s32 s10, $0x1;
	s10 =	sld [smem:$0x3FBA];
	_ =	sdelay $0x3  }
0x37: {  	[smem:$0x3FBA] =	sst s10  }
0x38: {  	s10 =	sld [smem:$0x3FBB]  }
0x39: {  	_ = 	snop;
	(pc) =	sbr.ind lr, $3  }
0x3a: {  	_ = 	snop  }
0x3b: {  	_ = 	snop  }
0x3c: {  	p2 =	seq.s32 s10, $0x1;
	s10 =	sld [smem:$0x3FBA]  }
0x3d: {  	_ =	shalt  }
0x3e: {  	_ =	shalt  }
0x3f: {  	_ =	shalt  }
0x40: {  	_ =	shalt  }
0x41: {  	_ =	shalt  }
0x42: {  	_ =	shalt  }
0x43: {  	_ =	shalt  }
0x44: {  	_ =	shalt  }
0x45: {  	_ =	shalt  }
0x46: {  	_ =	shalt  }
0x47: {  	_ =	shalt  }
0x48: {  	_ =	shalt  }
0x49: {  	_ =	shalt  }
0x4a: {  	_ =	shalt  }
0x4b: {  	_ =	shalt  }
0x4c: {  	_ =	shalt  }
0x4d: {  	_ =	shalt  }
0x4e: {  	_ =	shalt  }
0x4f: {  	_ =	shalt  }
0x50: {  	_ =	shalt  }
0x51: {  	_ =	shalt  }
0x52: {  	_ =	shalt  }
0x53: {  	_ =	shalt  }
0x54: {  	_ =	shalt  }
0x55: {  	_ =	shalt  }
0x56: {  	_ =	shalt  }
0x57: {  	_ =	shalt  }
0x58: {  	_ =	shalt  }
0x59: {  	_ =	shalt  }
0x5a: {  	_ =	shalt  }
0x5b: {  	_ =	shalt  }
0x5c: {  	_ =	shalt  }
0x5d: {  	_ =	shalt  }
0x5e: {  	_ =	shalt  }
0x5f: {  	_ =	shalt  }
0x60: {  	_ =	shalt  }
0x61: {  	_ =	shalt  }
0x62: {  	_ =	shalt  }
0x63: {  	_ =	shalt  }
0x64: {  	_ =	shalt  }
0x65: {  	_ =	shalt  }
0x66: {  	_ =	shalt  }
0x67: {  	_ =	shalt  }
0x68: {  	_ =	shalt  }
0x69: {  	_ =	shalt  }
0x6a: {  	_ =	shalt  }
0x6b: {  	_ =	shalt  }
0x6c: {  	_ =	shalt  }
0x6d: {  	_ =	shalt  }
0x6e: {  	_ =	shalt  }
0x6f: {  	_ =	shalt  }
0x70: {  	_ =	shalt  }
0x71: {  	_ =	shalt  }
0x72: {  	_ =	shalt  }
0x73: {  	_ =	shalt  }
0x74: {  	_ =	shalt  }
0x75: {  	_ =	shalt  }
0x76: {  	_ =	shalt  }
0x77: {  	_ =	shalt  }
0x78: {  	_ =	shalt  }
0x79: {  	_ =	shalt  }
0x7a: {  	_ =	shalt  }
0x7b: {  	_ =	shalt  }
0x7c: {  	_ =	shalt  }
0x7d: {  	_ =	shalt  }
0x7e: {  	_ =	shalt  }
0x7f: {  	_ =	shalt  }
0x80: {  	_ =	shalt  }
0x81: {  	_ =	shalt  }
0x82: {  	_ =	shalt  }
0x83: {  	_ =	shalt  }
0x84: {  	_ =	shalt  }
0x85: {  	_ =	shalt  }
0x86: {  	_ =	shalt  }
0x87: {  	_ =	shalt  }
.Lfunc_end0:
.L_simem_size_0:
called_computation.1_lowered:
.L_overlay_start_0:
0x88: {  	s2 =	sld [smem:$0x3FD9]  }
0x89: {  	s3 =	sld [smem:$0x3FFE];
	_ =	sdelay $0x1  }
0x8a: {  	s1 =	srdreg.scid  }
0x8b: {  	s0 =	sand.u32 $0x1, s1  }
0x8c: {  	s14 =	sshll.u32 s0, $0xA;
	s2 =	sadd.s32 s3, s2  }
0x8d: {  	s2 =	sadd.s32 s2, s14  }
0x8e: {  	[smem:$0x3FC6] =	sst s2  }
0x8f: {  	_ = 	snop  }
0x90: {  	s2 =	sld [smem:$0x3FD0];
	_ =	sdelay $0x2  }
0x91: {  	s15 =	simm.s32 $0xA;
	s4 =	simm.s32 $0x10  }
0x92: {  	[smem:s4], [sflag:s15] =	dma.local [hbm:s2], $0x1  }
0x93: {  	_ =	swait.eq [sflag:s15], $0x1  }
0x94: {  	[sflag:s15] =	ssyncset.done $0x0  }
0x95: {  	s16 =	sld [smem:$0x10];
	[sflag:s15] =	ssyncadd.s32 $0xFFFFFFFF  }
0x96: {  	s17 =	sld [smem:$0x11];
	(tm) =	ssettm $0x1  }
0x97: {  	s18 =	sld [smem:$0x3FFB];
	_ =	sdelay $0x3  }
0x98: {  	_ =	strace s18  }
0x99: {  	s4 =	sld [smem:$0x3FFC];
	_ =	sdelay $0x3  }
0x9a: {  	_ =	strace s4  }
0x9b: {  	s4 =	sld [smem:$0x3FFD];
	_ =	sdelay $0x3  }
0x9c: {  	_ =	strace s4  }
0x9d: {  	_ =	strace $0x8FFFFFFF  }
0x9e: {  	s19 =	sld [smem:$0x3FDB];
	_ =	sdelay $0x1  }
0x9f: {  	s5 =	simm.s32 $_scs_section_size  }
0xa0: {  	s6 =	simm.s32 $_size__tile_overlayer_lowered;
	s7 =	simm.s32 $_tile_overlayer_lowered  }
0xa1: {  	s22 =	simm.s32 $0x1BFF;
	s21 =	sshll.u32 s7, $0x1;
	s4 =	sadd.s32 s5, s19  }
0xa2: {  	s8 =	simm.s32 $0x0;
	s20 =	sshll.u32 s6, $0x1;
	s6 =	sadd.s32 s21, s4  }
0xa3: {  	[timem:s8], [sflag:s22] =	dma.local [hbm:s6], s20  }
0xa4: {  	_ =	swait.ge [sflag:s22], s20  }
0xa5: {  	s5 =	ssub.s32 $0x0, s20;
	[sflag:s22] =	ssyncset.done $0x0  }
0xa6: {  	[sflag:s22] =	ssyncadd.s32 s5;
	_ =	sdelay $0x1  }
0xa7: {  	s23 =	simm.s32 $0x1B8B  }
0xa8: {  	_ =	swait.ge [sflag:s23], $0x1  }
0xa9: {  	[sflag:s23] =	ssyncset.done $0x0  }
0xaa: {  	s25 =	simm.s32 $0x1B8E;
	s24 =	sld [smem:$0x3FFE];
	[sflag:s23] =	ssyncadd.s32 $0xFFFFFFFF  }
0xab: {  	s26 =	simm.s32 $execute0_lowered;
	[smem:$0x3FD2] =	sst s25  }
0xac: {  	s6 =	sshll.u32 s26, $0x1;
	_ =	strace $0x80000049;
	[dreg:$0x1] =	wrdreg $0xFFFFFFFF  }
0xad: {  	s28 =	simm.s32 $_size_execute0_lowered;
	s4 =	sadd.s32 s4, s6;
	[dreg:$0x0] =	wrdreg $0x0  }
0xae: {  	s6 =	sshll.u32 s28, $0x1;
	[dreg:$0x2] =	wrdreg s4  }
0xaf: {  	[dreg:$0x3] =	wrdreg s6  }
0xb0: {  	[dreg:$0x4] =	wrdreg $0xC0  }
0xb1: {  	_ =	task [dreg:s8], $0x5FFFF  }
0xb2: {  	[dreg:$0x1] =	wrdreg $0xFFFFFFFF  }
0xb3: {  	[dreg:$0x0] =	wrdreg $0x60  }
0xb4: {  	[dreg:$0x2] =	wrdreg s16  }
0xb5: {  	[dreg:$0x3] =	wrdreg s17  }
0xb6: {  	[dreg:$0x4] =	wrdreg s24  }
0xb7: {  	[dreg:$0x5] =	wrdreg $0x9  }
0xb8: {  	_ =	task.clear_ibuf [dreg:s8], $0x6FFFF;
	_ =	strace $0x90000049  }
0xb9: {  	s29 =	simm.s32 $0x9;
	_ =	strace $0x8000004B  }
0xba: {  	_ =	swait.ge [sflag:s29], $0x1  }
0xbb: {  	[sflag:s29] =	ssyncadd.s32 $0xFFFFFFFF  }
0xbc: {  	_ =	strace $0x9000004B  }
0xbd: {  	_ =	sfence  }
0xbe: {  	s30 =	sld [smem:$0x0];
	_ =	sdelay $0x2  }
0xbf: {  	s31 =	sshll.u32 s1, $0xD;
	s1 =	sshrl.u32 s1, $0x2  }
0xc0: {  	s3 =	sand.u32 $0x4000, s31;
	s1 =	sadd.s32 s1, s30  }
0xc1: {  	s0 =	sor.u32 s3, s0;
	s1 =	sshll.u32 s1, $0x11  }
0xc2: {  	s0 =	sor.u32 s1, s0  }
0xc3: {  	s0 =	sadd.s32 $0x8F2B, s0  }
0xc4: {  	[sflag:s0] =	ssyncadd.remote.s32 $0x1  }
0xc5: {  	_ =	sfence.sel $0xFFFF  }
0xc6: {  	[dreg:$0x0] =	wrdreg $0xFFFFFFFF;
	(pc) =	sbr.abs _section_cstart, $3  }
0xc7: {  	[dreg:$0x1] =	wrdreg $0xFFFFFFFF  }
0xc8: {  	_ =	task.clear_ibuf [dreg:s8], $0x2FFFF;
	_ =	strace $0x9FFFFFFF  }
0xc9: {  	(tm) =	ssettm $0x7FFFFFFF  }
tec
execute0_lowered:
.L_overlay_start_1:
0x0: {  	(tag) =	ssettag $0x1  }
0x1: {  	s0 =	srdreg.scid  }
0x2: {  	s5 =	sand.u32 $0x1, s0;
	s0 =	stileid.u32  }
0x3: {  	s6 =	sor.u32 s0, s5  }
0x4: {  	p0 =	sne.s32 s6, $0x0  }
.Ltmp0:
0x5: {  	_ = 	snop;
	(pc) =	sbr.rel @p0 .LBB2_5-.Ltmp0, $4  }
0x6: {  	s1 =	rddreg [dreg:$0x0]  }
0x7: {  	s3 =	rddreg [dreg:$0x1]  }
0x8: {  	s4 =	rddreg [dreg:$0x2]  }
0x9: {  	s2 =	rddreg [dreg:$0x3];
	_ =	strace $0x8000004A  }
0xa: {  	s5 =	ssub.s32 $0x2, s5;
	s7 =	simm.s32 $0x1  }
0xb: {  	s8 =	simm.s32 $0x1400;
	s9 =	simm.s32 $0x2800;
	s6 =	sshrl.u32 s5, $0x1  }
0xc: {  	s10 =	simm.s32 $0x0;
	s5 =	ssub.s32 s5, s6;
	s6 =	simm.s32 $0x0  }
.LBB2_2:
0xd: {  	[tilespmem:s10], [sflag:$0x1] =	stream.linear.gather [hbm4b:s1+s10], $0x1400, $0x38;
	[tilespmem:$0x3C00] =	vst v63  }
0xe: {  	_ =	swait.ge [sflag:s7], $0x1400  }
0xf: {  	[sflag:s7] =	ssyncset.done $0x0  }
0x10: {  	[sflag:s7] =	ssyncadd.s32 $0xFFFFEC00  }
0x11: {  	[tilespmem:s8], [sflag:$0x1] =	stream.linear.gather [hbm4b:s3+s10], $0x1400, $0x38;
	[tilespmem:$0x3C00] =	vst v63  }
0x12: {  	_ =	swait.ge [sflag:s7], $0x1400  }
0x13: {  	[sflag:s7] =	ssyncset.done $0x0  }
0x14: {  	s12 =	simm.s32 $0x0;
	s11 =	simm.s32 $0x40;
	[sflag:s7] =	ssyncadd.s32 $0xFFFFEC00  }
.LBB2_3:
0x15: {  	p0 =	sne.s32 s11, $0x4FC0;
	v0 =	vld [tilespmem:s12+$0x1400];
	_ =	sdelay $0x2  }
0x16: {  	v1 =	vld [tilespmem:s12+$0x0]  }
.Ltmp1:
0x17: {  	(pc) =	sbr.rel @p0 .LBB2_3-.Ltmp1, $2  }
0x18: {  	_ =	sdelay $0x2  }
0x19: {  	s12 =	sshra.s32 s11, $0x2;
	s11 =	sadd.s32 $0x40, s11;
	[tilespmem:v0+s9+$0x0] =	vst.idx.msk $0xffff, v1  }
0x1a: {  	v0 =	vld [tilespmem:s12+$0x1400];
	_ =	sdelay $0x2  }
0x1b: {  	v1 =	vld [tilespmem:s12+$0x0];
	_ =	sdelay $0x2  }
0x1c: {  	s6 =	sadd.s32 $0x1, s6  }
0x1d: {  	p0 =	sne.s32 s6, s5  }
.Ltmp2:
0x1e: {  	[tilespmem:v0+s9+$0x0] =	vst.idx.msk $0xffff, v1;
	(pc) =	sbr.rel @p0 .LBB2_2-.Ltmp2, $4  }
0x1f: {  	[hbm4b:s4+s10] =	stream.linear.scatter [tilespmem:s9], [sflag:$0x1], $0x1400, $0x38;
	[tilespmem:$0x3C00] =	vst v63  }
0x20: {  	_ =	swait.ge [sflag:s7], $0x1400  }
0x21: {  	[sflag:s7] =	ssyncset.done $0x0  }
0x22: {  	[sflag:s7] =	ssyncadd.s32 $0xFFFFEC00  }
.LBB2_5:
0x23: {  	_ =	sfence.sel $0x180000  }
0x24: {  	[bflag:$0x0] =	sbarrier.arrive $0xFFFF  }
0x25: {  	p0 =	sne.s32 s0, $0x0;
	_ =	strace $0x9000004A  }
0x26: {  	s0 =	sadd.s32 @!p0 $0x100000, s2;
	[bflag:$0x2] =	sbarrier.arrive $0xFFFF  }
0x27: {  	[sflag:s0] =	ssyncadd.tile.s32 @!p0 $0x1;
	_ =	shalt  }
.Lfunc_end2:
_tile_overlayer_lowered:
.L_overlay_start_2:
0x28: {  	(tag) =	ssettag $0x2  }
0x29: {  	s0 =	rddreg [dreg:$0x0];
	s2 =	stileid.u32  }
0x2a: {  	s1 =	rddreg [dreg:$0x1];
	p0 =	sne.s32 s2, $0x0  }
0x2b: {  	s3 =	rddreg [dreg:$0x2];
	[bflag:$0x3] =	sbarrier.arrive $0xFFFF;
	s2 =	simm.s32 @!p0 $0x1C02  }
0x2c: {  	[timem:s3], [sflag:s2] =	dma.local @!p0 [hbm:s0], s1  }
0x2d: {  	s0 =	simm.s32 @!p0 $0x2  }
0x2e: {  	_ =	swait.ge @!p0 [sflag:s0], s1  }
0x2f: {  	s1 =	ssub.s32 @!p0 $0x0, s1;
	[sflag:s0] =	ssyncset.done @!p0 $0x0  }
0x30: {  	[sflag:s0] =	ssyncadd.s32 @!p0 s1  }
0x31: {  	[bflag:$0x3] =	sbarrier.arrive $0xFFFF  }
0x32: {  	_ =	shalt  }

</sc_bundles>
